<compile_context>
chip_gen: v7x
topology: tpu7x:2x2x1
jax: 0.10.2.dev20260603
libtpu: 0.0.44.dev20260713+nightly
codegen_flags: <defaults>
</compile_context>

<pallas_src>
import jax
import jax.numpy as jnp
from jax import lax
from jax.experimental import pallas as pl
from jax.experimental.pallas import tpu as pltpu
from jax.experimental.pallas import tpu_sc as plsc

VOCAB = 30522
D = 768
S = 512
B = 128
N = S * B
EPS = 1e-12

NC = 2
NS = 16
NW = NC * NS

K = 2
SC_CHUNK = S // K
NK = SC_CHUNK * B
TOK_PER_W = NK // NW
CHUNK = 64
NCHUNK = TOK_PER_W // CHUNK
NBUF = 2


def _sc_gather_body(table, idx_hbm, out_hbm, idx_v, rows0, rows1,
                    gsem0, gsem1, osem0, osem1):
    wid = lax.axis_index("s") * NC + lax.axis_index("c")
    base = wid * TOK_PER_W
    pltpu.sync_copy(idx_hbm.at[pl.ds(base, TOK_PER_W)], idx_v)

    bufs = (rows0, rows1)
    gsems = (gsem0, gsem1)
    osems = (osem0, osem1)

    def gather_desc(g, b):
        return pltpu.make_async_copy(
            table.at[idx_v.at[pl.ds(g * CHUNK, CHUNK)]], bufs[b], gsems[b])

    def out_desc(g, b):
        return pltpu.make_async_copy(
            bufs[b], out_hbm.at[pl.ds(base + g * CHUNK, CHUNK)], osems[b])

    def step(g2, _):
        for b in range(NBUF):
            g = g2 * NBUF + b

            @pl.when(g >= NBUF)
            def _():
                out_desc(g - NBUF, b).wait()

            d = gather_desc(g, b)
            d.start()
            d.wait()
            out_desc(g, b).start()
        return 0

    lax.fori_loop(0, NCHUNK // NBUF, step, 0)
    for b in range(NBUF):
        out_desc(NCHUNK - NBUF + b, b).wait()


def _sc_gather(word_emb, ids_chunk):
    mesh = plsc.VectorSubcoreMesh(core_axis_name="c", subcore_axis_name="s")
    fn = pl.kernel(
        _sc_gather_body,
        out_type=jax.ShapeDtypeStruct((NK, D), jnp.float32),
        mesh=mesh,
        scratch_types=[
            pltpu.VMEM((TOK_PER_W,), jnp.int32),
            pltpu.VMEM((CHUNK, D), jnp.float32),
            pltpu.VMEM((CHUNK, D), jnp.float32),
            pltpu.SemaphoreType.DMA,
            pltpu.SemaphoreType.DMA,
            pltpu.SemaphoreType.DMA,
            pltpu.SemaphoreType.DMA,
        ],
    )
    return fn(word_emb, ids_chunk)


SBLK = 16
STEPS_PER_K = SC_CHUNK // SBLK


def _ln_compute(g_ref, pe_ref, te_ref, gamma_ref, beta_ref, o_ref):
    emb = g_ref[...] + pe_ref[...][:, None, :] + te_ref[...][None, :, :]
    mean = jnp.mean(emb, axis=-1, keepdims=True)
    cen = emb - mean
    var = jnp.mean(cen * cen, axis=-1, keepdims=True)
    o_ref[...] = (cen * lax.rsqrt(var + EPS)) * gamma_ref[...] + beta_ref[...]


def _ln_body_first(g_ref, pe_ref, te_ref, gamma_ref, beta_ref, o_ref):
    _ln_compute(g_ref, pe_ref, te_ref, gamma_ref, beta_ref, o_ref)


def _ln_body_chain(g_ref, pe_ref, te_ref, gamma_ref, beta_ref, prev_ref,
                   o_ref):
    del prev_ref
    _ln_compute(g_ref, pe_ref, te_ref, gamma_ref, beta_ref, o_ref)


def _ln_chunk(k, gathered_k, pe_k, tok_row, ln_gamma, ln_beta, prev):
    base = k * STEPS_PER_K
    out_spec = pl.BlockSpec((SBLK, B, D), lambda i: (base + i, 0, 0))
    in_specs = [
        pl.BlockSpec((SBLK, B, D), lambda i: (i, 0, 0)),
        pl.BlockSpec((SBLK, D), lambda i: (i, 0)),
        pl.BlockSpec((1, D), lambda i: (0, 0)),
        pl.BlockSpec((1, D), lambda i: (0, 0)),
        pl.BlockSpec((1, D), lambda i: (0, 0)),
    ]
    args = [gathered_k, pe_k, tok_row, ln_gamma, ln_beta]
    if prev is None:
        body = _ln_body_first
        aliases = {}
    else:
        body = _ln_body_chain
        in_specs.append(pl.BlockSpec(memory_space=pl.ANY))
        args.append(prev)
        aliases = {5: 0}
    return pl.pallas_call(
        body,
        grid=(STEPS_PER_K,),
        in_specs=in_specs,
        out_specs=out_spec,
        out_shape=jax.ShapeDtypeStruct((S, B, D), jnp.float32),
        input_output_aliases=aliases,
    )(*args)


def kernel(input_ids, word_emb, pos_emb, tok_emb, ln_gamma, ln_beta):
    ids_flat = input_ids.reshape(N).astype(jnp.int32)
    tok_row = lax.slice(tok_emb, (0, 0), (1, D))
    gamma = ln_gamma.reshape(1, D)
    beta = ln_beta.reshape(1, D)

    gathered = [
        _sc_gather(word_emb, lax.slice(ids_flat, (k * NK,), ((k + 1) * NK,)))
        for k in range(K)
    ]
    out = None
    for k in range(K):
        pe_k = lax.slice(pos_emb, (k * SC_CHUNK, 0), ((k + 1) * SC_CHUNK, D))
        out = _ln_chunk(k, gathered[k].reshape(SC_CHUNK, B, D), pe_k,
                        tok_row, gamma, beta, out)
    return out

# --- scband reference (transcript-rebuilt; emitter-appended) ---
"""Pipeline reference for scband-bertstyle-embedding-17858474017297 (READ-ONLY COPY).

The authoritative reference and input builder live on the scoring server;
editing this copy changes nothing except your own understanding.
"""

import jax, jax.numpy as jnp
import numpy as np

VOCAB = 30522
D_MODEL = 768
MAX_LEN = 512
SEQ = 512
BATCH = 128
EPS = 1e-12


def setup_inputs(seed: int = 0) -> dict:
    key = jax.random.key(seed)
    k1, k2, k3, k4, k5 = jax.random.split(key, 5)
    input_ids = jax.random.randint(k1, (SEQ, BATCH), 0, VOCAB, dtype=jnp.int64 if jax.config.jax_enable_x64 else jnp.int32)
    word_emb = jax.random.normal(k2, (VOCAB, D_MODEL), dtype=jnp.float32) * 0.02
    pos_emb = jax.random.normal(k3, (MAX_LEN, D_MODEL), dtype=jnp.float32) * 0.02
    tok_emb = jax.random.normal(k4, (2, D_MODEL), dtype=jnp.float32) * 0.02
    ln_gamma = jnp.ones((D_MODEL,), dtype=jnp.float32)
    ln_beta = jnp.zeros((D_MODEL,), dtype=jnp.float32)
    return {
        "input_ids": input_ids,
        "word_emb": word_emb,
        "pos_emb": pos_emb,
        "tok_emb": tok_emb,
        "ln_gamma": ln_gamma,
        "ln_beta": ln_beta,
    }


def reference(input_ids, word_emb, pos_emb, tok_emb, ln_gamma, ln_beta):
    # input_ids: [S, B] (seq-major, as in the torch module)
    S, B = input_ids.shape
    position_ids = jnp.broadcast_to(jnp.arange(S)[:, None], (S, B))
    token_type_ids = jnp.zeros((S, B), dtype=jnp.int32)
    we = jnp.take(word_emb, input_ids, axis=0)            # [S, B, D]
    pe = jnp.take(pos_emb, position_ids, axis=0)          # [S, B, D]
    te = jnp.take(tok_emb, token_type_ids, axis=0)        # [S, B, D]
    emb = we + pe + te
    mean = jnp.mean(emb, axis=-1, keepdims=True)
    var = jnp.mean((emb - mean) ** 2, axis=-1, keepdims=True)
    normed = (emb - mean) / jnp.sqrt(var + EPS)
    out = normed * ln_gamma + ln_beta
    # dropout is identity in eval mode
    return out

if __name__ == "__main__":
    import jax
    _d = setup_inputs()
    print(jax.jit(kernel)(*tuple(_d.values())))

</pallas_src>

<mosaic_0001>
#map = affine_map<(d0, d1) -> (0, 0)>
#map1 = affine_map<(d0, d1) -> (0)>
module attributes {stable_mosaic.version = 14 : i64} {
  func.func @_sc_gather_body(%arg0: i32, %arg1: i32, %arg2: memref<30522x768xf32, #tpu.memory_space<hbm>>, %arg3: memref<32768xi32, #tpu.memory_space<hbm>>, %arg4: memref<32768x768xf32, #tpu.memory_space<hbm>>, %arg5: memref<1024xi32, #tpu.memory_space<vmem>>, %arg6: memref<64x768xf32, #tpu.memory_space<vmem>>, %arg7: memref<64x768xf32, #tpu.memory_space<vmem>>, %arg8: memref<!tpu.dma_semaphore, #tpu.memory_space<semaphore_mem>>, %arg9: memref<!tpu.dma_semaphore, #tpu.memory_space<semaphore_mem>>, %arg10: memref<!tpu.dma_semaphore, #tpu.memory_space<semaphore_mem>>, %arg11: memref<!tpu.dma_semaphore, #tpu.memory_space<semaphore_mem>>) attributes {dimension_semantics = [#tpu.dimension_semantics<core_parallel>, #tpu.dimension_semantics<subcore_parallel>], iteration_bounds = array<i64: 2, 16>, scalar_prefetch = 0 : i64, scratch_operands = 7 : i64, tpu.core_type = #tpu.core_type<sc_vector_subcore>, window_params = [{transform_indices = #map}, {transform_indices = #map1}, {transform_indices = #map}]} {
    %mul3A = arith.constant 2 : i32
    %mul3A_0 = arith.muli %arg1, %mul3A : i32
    %add3A = arith.addi %mul3A_0, %arg0 : i32
    %mul3A_1 = arith.constant 1024 : i32
    %mul3A_2 = arith.muli %add3A, %mul3A_1 : i32
    "tpu.region"() ({
      %run_scoped3A = tpu.sem_alloc : memref<!tpu.dma_semaphore, #tpu.memory_space<semaphore_mem>>
      %dma_start3A = tpu.memref_slice %arg3[%mul3A_2] : memref<32768xi32, #tpu.memory_space<hbm>> -> memref<1024xi32, #tpu.memory_space<hbm>>
      %dma_start3A_20 = tpu.memref_slice %arg3[%mul3A_2] : memref<32768xi32, #tpu.memory_space<hbm>> -> memref<1024xi32, #tpu.memory_space<hbm>>
      tpu.enqueue_dma source(%dma_start3A_20 : memref<1024xi32, #tpu.memory_space<hbm>>) target(%arg5 : memref<1024xi32, #tpu.memory_space<vmem>>) target_semaphore(%run_scoped3A : memref<!tpu.dma_semaphore, #tpu.memory_space<semaphore_mem>>)
      %dma_wait3A_21 = tpu.memref_slice %arg3[%mul3A_2] : memref<32768xi32, #tpu.memory_space<hbm>> -> memref<1024xi32, #tpu.memory_space<hbm>>
      %dma_wait3A_22 = tpu.memref_slice %arg3[%mul3A_2] : memref<32768xi32, #tpu.memory_space<hbm>> -> memref<1024xi32, #tpu.memory_space<hbm>>
      tpu.wait_dma2 semaphore(%run_scoped3A : memref<!tpu.dma_semaphore, #tpu.memory_space<semaphore_mem>>) src(%dma_wait3A_22 : memref<1024xi32, #tpu.memory_space<hbm>>) dst(%arg5 : memref<1024xi32, #tpu.memory_space<vmem>>)
      tpu.yield
    }) : () -> ()
    %scan3A = arith.constant 0 : i32
    %scan3A_3 = arith.constant 0 : i32
    %scan3A_4 = arith.constant 8 : i32
    %scan3A_5 = arith.addi %scan3A_3, %scan3A_4 : i32
    %scan3A_6 = arith.constant 1 : i32
    %scan3A_7 = scf.for %scan3A_20 = %scan3A_3 to %scan3A_5 step %scan3A_6 iter_args(%scan3A_21 = %scan3A) -> (i32)  : i32 {
      %mul3A_22 = arith.constant 2 : i32
      %mul3A_23 = arith.muli %scan3A_20, %mul3A_22 : i32
      %add3A_24 = arith.constant 0 : i32
      %add3A_25 = arith.addi %mul3A_23, %add3A_24 : i32
      %ge3A = arith.constant 2 : i32
      %ge3A_26 = arith.cmpi sge, %add3A_25, %ge3A : i32
      %convert_element_type3A = arith.extui %ge3A_26 : i1 to i32
      %cond3A = arith.constant 0 : i32
      %cond3A_27 = arith.cmpi ne, %convert_element_type3A, %cond3A : i32
      scf.if %cond3A_27 {
        %sub3A = arith.constant 2 : i32
        %sub3A_71 = arith.subi %add3A_25, %sub3A : i32
        %mul3A_72 = arith.constant 64 : i32
        %mul3A_73 = arith.muli %sub3A_71, %mul3A_72 : i32
        %add3A_74 = arith.addi %mul3A_2, %mul3A_73 : i32
        %dma_wait3A_75 = arith.constant 0 : i32
        %dma_wait3A_76 = tpu.memref_slice %arg4[%add3A_74, %dma_wait3A_75] : memref<32768x768xf32, #tpu.memory_space<hbm>> -> memref<64x768xf32, #tpu.memory_space<hbm>>
        %dma_wait3A_77 = arith.constant 0 : i32
        %dma_wait3A_78 = tpu.memref_slice %arg4[%add3A_74, %dma_wait3A_77] : memref<32768x768xf32, #tpu.memory_space<hbm>> -> memref<64x768xf32, #tpu.memory_space<hbm>>
        tpu.wait_dma2 semaphore(%arg10 : memref<!tpu.dma_semaphore, #tpu.memory_space<semaphore_mem>>) src(%arg6 : memref<64x768xf32, #tpu.memory_space<vmem>>) dst(%dma_wait3A_78 : memref<64x768xf32, #tpu.memory_space<hbm>>)
      } else {
      }
      %mul3A_28 = arith.constant 64 : i32
      %mul3A_29 = arith.muli %add3A_25, %mul3A_28 : i32
      %dma_start3A = tpu.memref_slice %arg5[%mul3A_29] : memref<1024xi32, #tpu.memory_space<vmem>> -> memref<64xi32, #tpu.memory_space<vmem>>
      %dma_start3A_30 = arith.constant 0 : i32
      %dma_start3A_31 = arith.constant 0 : i32
      %dma_start3A_32 = tpu.memref_slice %arg2[%dma_start3A_30, %dma_start3A_31] : memref<30522x768xf32, #tpu.memory_space<hbm>> -> memref<30522x768xf32, #tpu.memory_space<hbm>>
      tpu.enqueue_indirect_dma source(%dma_start3A_32 : memref<30522x768xf32, #tpu.memory_space<hbm>>) target(%arg6 : memref<64x768xf32, #tpu.memory_space<vmem>>) offsets(%dma_start3A : memref<64xi32, #tpu.memory_space<vmem>>) semaphore(%arg8 : memref<!tpu.dma_semaphore, #tpu.memory_space<semaphore_mem>>)
      %dma_wait3A_33 = tpu.memref_slice %arg5[%mul3A_29] : memref<1024xi32, #tpu.memory_space<vmem>> -> memref<64xi32, #tpu.memory_space<vmem>>
      %dma_wait3A_34 = arith.constant 0 : i32
      %dma_wait3A_35 = arith.constant 0 : i32
      %dma_wait3A_36 = tpu.memref_slice %arg2[%dma_wait3A_34, %dma_wait3A_35] : memref<30522x768xf32, #tpu.memory_space<hbm>> -> memref<30522x768xf32, #tpu.memory_space<hbm>>
      tpu.wait_indirect_dma semaphore(%arg8 : memref<!tpu.dma_semaphore, #tpu.memory_space<semaphore_mem>>) src(%dma_wait3A_36 : memref<30522x768xf32, #tpu.memory_space<hbm>>) dst(%arg6 : memref<64x768xf32, #tpu.memory_space<vmem>>)
      %mul3A_37 = arith.constant 64 : i32
      %mul3A_38 = arith.muli %add3A_25, %mul3A_37 : i32
      %add3A_39 = arith.addi %mul3A_2, %mul3A_38 : i32
      %dma_start3A_40 = arith.constant 0 : i32
      %dma_start3A_41 = tpu.memref_slice %arg4[%add3A_39, %dma_start3A_40] : memref<32768x768xf32, #tpu.memory_space<hbm>> -> memref<64x768xf32, #tpu.memory_space<hbm>>
      %dma_start3A_42 = arith.constant 0 : i32
      %dma_start3A_43 = tpu.memref_slice %arg4[%add3A_39, %dma_start3A_42] : memref<32768x768xf32, #tpu.memory_space<hbm>> -> memref<64x768xf32, #tpu.memory_space<hbm>>
      tpu.enqueue_dma source(%arg6 : memref<64x768xf32, #tpu.memory_space<vmem>>) target(%dma_start3A_43 : memref<64x768xf32, #tpu.memory_space<hbm>>) target_semaphore(%arg10 : memref<!tpu.dma_semaphore, #tpu.memory_space<semaphore_mem>>)
      %mul3A_44 = arith.constant 2 : i32
      %mul3A_45 = arith.muli %scan3A_20, %mul3A_44 : i32
      %add3A_46 = arith.constant 1 : i32
      %add3A_47 = arith.addi %mul3A_45, %add3A_46 : i32
      %ge3A_48 = arith.constant 2 : i32
      %ge3A_49 = arith.cmpi sge, %add3A_47, %ge3A_48 : i32
      %convert_element_type3A_50 = arith.extui %ge3A_49 : i1 to i32
      %cond3A_51 = arith.constant 0 : i32
      %cond3A_52 = arith.cmpi ne, %convert_element_type3A_50, %cond3A_51 : i32
      scf.if %cond3A_52 {
        %sub3A = arith.constant 2 : i32
        %sub3A_71 = arith.subi %add3A_47, %sub3A : i32
        %mul3A_72 = arith.constant 64 : i32
        %mul3A_73 = arith.muli %sub3A_71, %mul3A_72 : i32
        %add3A_74 = arith.addi %mul3A_2, %mul3A_73 : i32
        %dma_wait3A_75 = arith.constant 0 : i32
        %dma_wait3A_76 = tpu.memref_slice %arg4[%add3A_74, %dma_wait3A_75] : memref<32768x768xf32, #tpu.memory_space<hbm>> -> memref<64x768xf32, #tpu.memory_space<hbm>>
        %dma_wait3A_77 = arith.constant 0 : i32
        %dma_wait3A_78 = tpu.memref_slice %arg4[%add3A_74, %dma_wait3A_77] : memref<32768x768xf32, #tpu.memory_space<hbm>> -> memref<64x768xf32, #tpu.memory_space<hbm>>
        tpu.wait_dma2 semaphore(%arg11 : memref<!tpu.dma_semaphore, #tpu.memory_space<semaphore_mem>>) src(%arg7 : memref<64x768xf32, #tpu.memory_space<vmem>>) dst(%dma_wait3A_78 : memref<64x768xf32, #tpu.memory_space<hbm>>)
      } else {
      }
      %mul3A_53 = arith.constant 64 : i32
      %mul3A_54 = arith.muli %add3A_47, %mul3A_53 : i32
      %dma_start3A_55 = tpu.memref_slice %arg5[%mul3A_54] : memref<1024xi32, #tpu.memory_space<vmem>> -> memref<64xi32, #tpu.memory_space<vmem>>
      %dma_start3A_56 = arith.constant 0 : i32
      %dma_start3A_57 = arith.constant 0 : i32
      %dma_start3A_58 = tpu.memref_slice %arg2[%dma_start3A_56, %dma_start3A_57] : memref<30522x768xf32, #tpu.memory_space<hbm>> -> memref<30522x768xf32, #tpu.memory_space<hbm>>
      tpu.enqueue_indirect_dma source(%dma_start3A_58 : memref<30522x768xf32, #tpu.memory_space<hbm>>) target(%arg7 : memref<64x768xf32, #tpu.memory_space<vmem>>) offsets(%dma_start3A_55 : memref<64xi32, #tpu.memory_space<vmem>>) semaphore(%arg9 : memref<!tpu.dma_semaphore, #tpu.memory_space<semaphore_mem>>)
      %dma_wait3A_59 = tpu.memref_slice %arg5[%mul3A_54] : memref<1024xi32, #tpu.memory_space<vmem>> -> memref<64xi32, #tpu.memory_space<vmem>>
      %dma_wait3A_60 = arith.constant 0 : i32
      %dma_wait3A_61 = arith.constant 0 : i32
      %dma_wait3A_62 = tpu.memref_slice %arg2[%dma_wait3A_60, %dma_wait3A_61] : memref<30522x768xf32, #tpu.memory_space<hbm>> -> memref<30522x768xf32, #tpu.memory_space<hbm>>
      tpu.wait_indirect_dma semaphore(%arg9 : memref<!tpu.dma_semaphore, #tpu.memory_space<semaphore_mem>>) src(%dma_wait3A_62 : memref<30522x768xf32, #tpu.memory_space<hbm>>) dst(%arg7 : memref<64x768xf32, #tpu.memory_space<vmem>>)
      %mul3A_63 = arith.constant 64 : i32
      %mul3A_64 = arith.muli %add3A_47, %mul3A_63 : i32
      %add3A_65 = arith.addi %mul3A_2, %mul3A_64 : i32
      %dma_start3A_66 = arith.constant 0 : i32
      %dma_start3A_67 = tpu.memref_slice %arg4[%add3A_65, %dma_start3A_66] : memref<32768x768xf32, #tpu.memory_space<hbm>> -> memref<64x768xf32, #tpu.memory_space<hbm>>
      %dma_start3A_68 = arith.constant 0 : i32
      %dma_start3A_69 = tpu.memref_slice %arg4[%add3A_65, %dma_start3A_68] : memref<32768x768xf32, #tpu.memory_space<hbm>> -> memref<64x768xf32, #tpu.memory_space<hbm>>
      tpu.enqueue_dma source(%arg7 : memref<64x768xf32, #tpu.memory_space<vmem>>) target(%dma_start3A_69 : memref<64x768xf32, #tpu.memory_space<hbm>>) target_semaphore(%arg11 : memref<!tpu.dma_semaphore, #tpu.memory_space<semaphore_mem>>)
      %scan3A_70 = arith.constant 0 : i32
      scf.yield %scan3A_70 : i32
    }
    %scan3A_8 = arith.constant 8 : i32
    %add3A_9 = arith.constant 896 : i32
    %add3A_10 = arith.addi %mul3A_2, %add3A_9 : i32
    %dma_wait3A = arith.constant 0 : i32
    %dma_wait3A_11 = tpu.memref_slice %arg4[%add3A_10, %dma_wait3A] : memref<32768x768xf32, #tpu.memory_space<hbm>> -> memref<64x768xf32, #tpu.memory_space<hbm>>
    %dma_wait3A_12 = arith.constant 0 : i32
    %dma_wait3A_13 = tpu.memref_slice %arg4[%add3A_10, %dma_wait3A_12] : memref<32768x768xf32, #tpu.memory_space<hbm>> -> memref<64x768xf32, #tpu.memory_space<hbm>>
    tpu.wait_dma2 semaphore(%arg10 : memref<!tpu.dma_semaphore, #tpu.memory_space<semaphore_mem>>) src(%arg6 : memref<64x768xf32, #tpu.memory_space<vmem>>) dst(%dma_wait3A_13 : memref<64x768xf32, #tpu.memory_space<hbm>>)
    %add3A_14 = arith.constant 960 : i32
    %add3A_15 = arith.addi %mul3A_2, %add3A_14 : i32
    %dma_wait3A_16 = arith.constant 0 : i32
    %dma_wait3A_17 = tpu.memref_slice %arg4[%add3A_15, %dma_wait3A_16] : memref<32768x768xf32, #tpu.memory_space<hbm>> -> memref<64x768xf32, #tpu.memory_space<hbm>>
    %dma_wait3A_18 = arith.constant 0 : i32
    %dma_wait3A_19 = tpu.memref_slice %arg4[%add3A_15, %dma_wait3A_18] : memref<32768x768xf32, #tpu.memory_space<hbm>> -> memref<64x768xf32, #tpu.memory_space<hbm>>
    tpu.wait_dma2 semaphore(%arg11 : memref<!tpu.dma_semaphore, #tpu.memory_space<semaphore_mem>>) src(%arg7 : memref<64x768xf32, #tpu.memory_space<vmem>>) dst(%dma_wait3A_19 : memref<64x768xf32, #tpu.memory_space<hbm>>)
    return
  }
}

#map = affine_map<(d0, d1) -> (0, 0)>
#map1 = affine_map<(d0, d1) -> (0)>
module attributes {stable_mosaic.version = 14 : i64} {
  func.func @_sc_gather_body(%arg0: i32, %arg1: i32, %arg2: memref<30522x768xf32, #tpu.memory_space<hbm>>, %arg3: memref<32768xi32, #tpu.memory_space<hbm>>, %arg4: memref<32768x768xf32, #tpu.memory_space<hbm>>, %arg5: memref<1024xi32, #tpu.memory_space<vmem>>, %arg6: memref<64x768xf32, #tpu.memory_space<vmem>>, %arg7: memref<64x768xf32, #tpu.memory_space<vmem>>, %arg8: memref<!tpu.dma_semaphore, #tpu.memory_space<semaphore_mem>>, %arg9: memref<!tpu.dma_semaphore, #tpu.memory_space<semaphore_mem>>, %arg10: memref<!tpu.dma_semaphore, #tpu.memory_space<semaphore_mem>>, %arg11: memref<!tpu.dma_semaphore, #tpu.memory_space<semaphore_mem>>) attributes {dimension_semantics = [#tpu.dimension_semantics<core_parallel>, #tpu.dimension_semantics<subcore_parallel>], iteration_bounds = array<i64: 2, 16>, scalar_prefetch = 0 : i64, scratch_operands = 7 : i64, tpu.core_type = #tpu.core_type<sc_vector_subcore>, window_params = [{transform_indices = #map}, {transform_indices = #map1}, {transform_indices = #map}]} {
    %mul3A = arith.constant 2 : i32
    %mul3A_0 = arith.muli %arg1, %mul3A : i32
    %add3A = arith.addi %mul3A_0, %arg0 : i32
    %mul3A_1 = arith.constant 1024 : i32
    %mul3A_2 = arith.muli %add3A, %mul3A_1 : i32
    "tpu.region"() ({
      %run_scoped3A = tpu.sem_alloc : memref<!tpu.dma_semaphore, #tpu.memory_space<semaphore_mem>>
      %dma_start3A = tpu.memref_slice %arg3[%mul3A_2] : memref<32768xi32, #tpu.memory_space<hbm>> -> memref<1024xi32, #tpu.memory_space<hbm>>
      %dma_start3A_20 = tpu.memref_slice %arg3[%mul3A_2] : memref<32768xi32, #tpu.memory_space<hbm>> -> memref<1024xi32, #tpu.memory_space<hbm>>
      tpu.enqueue_dma source(%dma_start3A_20 : memref<1024xi32, #tpu.memory_space<hbm>>) target(%arg5 : memref<1024xi32, #tpu.memory_space<vmem>>) target_semaphore(%run_scoped3A : memref<!tpu.dma_semaphore, #tpu.memory_space<semaphore_mem>>)
      %dma_wait3A_21 = tpu.memref_slice %arg3[%mul3A_2] : memref<32768xi32, #tpu.memory_space<hbm>> -> memref<1024xi32, #tpu.memory_space<hbm>>
      %dma_wait3A_22 = tpu.memref_slice %arg3[%mul3A_2] : memref<32768xi32, #tpu.memory_space<hbm>> -> memref<1024xi32, #tpu.memory_space<hbm>>
      tpu.wait_dma2 semaphore(%run_scoped3A : memref<!tpu.dma_semaphore, #tpu.memory_space<semaphore_mem>>) src(%dma_wait3A_22 : memref<1024xi32, #tpu.memory_space<hbm>>) dst(%arg5 : memref<1024xi32, #tpu.memory_space<vmem>>)
      tpu.yield
    }) : () -> ()
    %scan3A = arith.constant 0 : i32
    %scan3A_3 = arith.constant 0 : i32
    %scan3A_4 = arith.constant 8 : i32
    %scan3A_5 = arith.addi %scan3A_3, %scan3A_4 : i32
    %scan3A_6 = arith.constant 1 : i32
    %scan3A_7 = scf.for %scan3A_20 = %scan3A_3 to %scan3A_5 step %scan3A_6 iter_args(%scan3A_21 = %scan3A) -> (i32)  : i32 {
      %mul3A_22 = arith.constant 2 : i32
      %mul3A_23 = arith.muli %scan3A_20, %mul3A_22 : i32
      %add3A_24 = arith.constant 0 : i32
      %add3A_25 = arith.addi %mul3A_23, %add3A_24 : i32
      %ge3A = arith.constant 2 : i32
      %ge3A_26 = arith.cmpi sge, %add3A_25, %ge3A : i32
      %convert_element_type3A = arith.extui %ge3A_26 : i1 to i32
      %cond3A = arith.constant 0 : i32
      %cond3A_27 = arith.cmpi ne, %convert_element_type3A, %cond3A : i32
      scf.if %cond3A_27 {
        %sub3A = arith.constant 2 : i32
        %sub3A_71 = arith.subi %add3A_25, %sub3A : i32
        %mul3A_72 = arith.constant 64 : i32
        %mul3A_73 = arith.muli %sub3A_71, %mul3A_72 : i32
        %add3A_74 = arith.addi %mul3A_2, %mul3A_73 : i32
        %dma_wait3A_75 = arith.constant 0 : i32
        %dma_wait3A_76 = tpu.memref_slice %arg4[%add3A_74, %dma_wait3A_75] : memref<32768x768xf32, #tpu.memory_space<hbm>> -> memref<64x768xf32, #tpu.memory_space<hbm>>
        %dma_wait3A_77 = arith.constant 0 : i32
        %dma_wait3A_78 = tpu.memref_slice %arg4[%add3A_74, %dma_wait3A_77] : memref<32768x768xf32, #tpu.memory_space<hbm>> -> memref<64x768xf32, #tpu.memory_space<hbm>>
        tpu.wait_dma2 semaphore(%arg10 : memref<!tpu.dma_semaphore, #tpu.memory_space<semaphore_mem>>) src(%arg6 : memref<64x768xf32, #tpu.memory_space<vmem>>) dst(%dma_wait3A_78 : memref<64x768xf32, #tpu.memory_space<hbm>>)
      } else {
      }
      %mul3A_28 = arith.constant 64 : i32
      %mul3A_29 = arith.muli %add3A_25, %mul3A_28 : i32
      %dma_start3A = tpu.memref_slice %arg5[%mul3A_29] : memref<1024xi32, #tpu.memory_space<vmem>> -> memref<64xi32, #tpu.memory_space<vmem>>
      %dma_start3A_30 = arith.constant 0 : i32
      %dma_start3A_31 = arith.constant 0 : i32
      %dma_start3A_32 = tpu.memref_slice %arg2[%dma_start3A_30, %dma_start3A_31] : memref<30522x768xf32, #tpu.memory_space<hbm>> -> memref<30522x768xf32, #tpu.memory_space<hbm>>
      tpu.enqueue_indirect_dma source(%dma_start3A_32 : memref<30522x768xf32, #tpu.memory_space<hbm>>) target(%arg6 : memref<64x768xf32, #tpu.memory_space<vmem>>) offsets(%dma_start3A : memref<64xi32, #tpu.memory_space<vmem>>) semaphore(%arg8 : memref<!tpu.dma_semaphore, #tpu.memory_space<semaphore_mem>>)
      %dma_wait3A_33 = tpu.memref_slice %arg5[%mul3A_29] : memref<1024xi32, #tpu.memory_space<vmem>> -> memref<64xi32, #tpu.memory_space<vmem>>
      %dma_wait3A_34 = arith.constant 0 : i32
      %dma_wait3A_35 = arith.constant 0 : i32
      %dma_wait3A_36 = tpu.memref_slice %arg2[%dma_wait3A_34, %dma_wait3A_35] : memref<30522x768xf32, #tpu.memory_space<hbm>> -> memref<30522x768xf32, #tpu.memory_space<hbm>>
      tpu.wait_indirect_dma semaphore(%arg8 : memref<!tpu.dma_semaphore, #tpu.memory_space<semaphore_mem>>) src(%dma_wait3A_36 : memref<30522x768xf32, #tpu.memory_space<hbm>>) dst(%arg6 : memref<64x768xf32, #tpu.memory_space<vmem>>)
      %mul3A_37 = arith.constant 64 : i32
      %mul3A_38 = arith.muli %add3A_25, %mul3A_37 : i32
      %add3A_39 = arith.addi %mul3A_2, %mul3A_38 : i32
      %dma_start3A_40 = arith.constant 0 : i32
      %dma_start3A_41 = tpu.memref_slice %arg4[%add3A_39, %dma_start3A_40] : memref<32768x768xf32, #tpu.memory_space<hbm>> -> memref<64x768xf32, #tpu.memory_space<hbm>>
      %dma_start3A_42 = arith.constant 0 : i32
      %dma_start3A_43 = tpu.memref_slice %arg4[%add3A_39, %dma_start3A_42] : memref<32768x768xf32, #tpu.memory_space<hbm>> -> memref<64x768xf32, #tpu.memory_space<hbm>>
      tpu.enqueue_dma source(%arg6 : memref<64x768xf32, #tpu.memory_space<vmem>>) target(%dma_start3A_43 : memref<64x768xf32, #tpu.memory_space<hbm>>) target_semaphore(%arg10 : memref<!tpu.dma_semaphore, #tpu.memory_space<semaphore_mem>>)
      %mul3A_44 = arith.constant 2 : i32
      %mul3A_45 = arith.muli %scan3A_20, %mul3A_44 : i32
      %add3A_46 = arith.constant 1 : i32
      %add3A_47 = arith.addi %mul3A_45, %add3A_46 : i32
      %ge3A_48 = arith.constant 2 : i32
      %ge3A_49 = arith.cmpi sge, %add3A_47, %ge3A_48 : i32
      %convert_element_type3A_50 = arith.extui %ge3A_49 : i1 to i32
      %cond3A_51 = arith.constant 0 : i32
      %cond3A_52 = arith.cmpi ne, %convert_element_type3A_50, %cond3A_51 : i32
      scf.if %cond3A_52 {
        %sub3A = arith.constant 2 : i32
        %sub3A_71 = arith.subi %add3A_47, %sub3A : i32
        %mul3A_72 = arith.constant 64 : i32
        %mul3A_73 = arith.muli %sub3A_71, %mul3A_72 : i32
        %add3A_74 = arith.addi %mul3A_2, %mul3A_73 : i32
        %dma_wait3A_75 = arith.constant 0 : i32
        %dma_wait3A_76 = tpu.memref_slice %arg4[%add3A_74, %dma_wait3A_75] : memref<32768x768xf32, #tpu.memory_space<hbm>> -> memref<64x768xf32, #tpu.memory_space<hbm>>
        %dma_wait3A_77 = arith.constant 0 : i32
        %dma_wait3A_78 = tpu.memref_slice %arg4[%add3A_74, %dma_wait3A_77] : memref<32768x768xf32, #tpu.memory_space<hbm>> -> memref<64x768xf32, #tpu.memory_space<hbm>>
        tpu.wait_dma2 semaphore(%arg11 : memref<!tpu.dma_semaphore, #tpu.memory_space<semaphore_mem>>) src(%arg7 : memref<64x768xf32, #tpu.memory_space<vmem>>) dst(%dma_wait3A_78 : memref<64x768xf32, #tpu.memory_space<hbm>>)
      } else {
      }
      %mul3A_53 = arith.constant 64 : i32
      %mul3A_54 = arith.muli %add3A_47, %mul3A_53 : i32
      %dma_start3A_55 = tpu.memref_slice %arg5[%mul3A_54] : memref<1024xi32, #tpu.memory_space<vmem>> -> memref<64xi32, #tpu.memory_space<vmem>>
      %dma_start3A_56 = arith.constant 0 : i32
      %dma_start3A_57 = arith.constant 0 : i32
      %dma_start3A_58 = tpu.memref_slice %arg2[%dma_start3A_56, %dma_start3A_57] : memref<30522x768xf32, #tpu.memory_space<hbm>> -> memref<30522x768xf32, #tpu.memory_space<hbm>>
      tpu.enqueue_indirect_dma source(%dma_start3A_58 : memref<30522x768xf32, #tpu.memory_space<hbm>>) target(%arg7 : memref<64x768xf32, #tpu.memory_space<vmem>>) offsets(%dma_start3A_55 : memref<64xi32, #tpu.memory_space<vmem>>) semaphore(%arg9 : memref<!tpu.dma_semaphore, #tpu.memory_space<semaphore_mem>>)
      %dma_wait3A_59 = tpu.memref_slice %arg5[%mul3A_54] : memref<1024xi32, #tpu.memory_space<vmem>> -> memref<64xi32, #tpu.memory_space<vmem>>
      %dma_wait3A_60 = arith.constant 0 : i32
      %dma_wait3A_61 = arith.constant 0 : i32
      %dma_wait3A_62 = tpu.memref_slice %arg2[%dma_wait3A_60, %dma_wait3A_61] : memref<30522x768xf32, #tpu.memory_space<hbm>> -> memref<30522x768xf32, #tpu.memory_space<hbm>>
      tpu.wait_indirect_dma semaphore(%arg9 : memref<!tpu.dma_semaphore, #tpu.memory_space<semaphore_mem>>) src(%dma_wait3A_62 : memref<30522x768xf32, #tpu.memory_space<hbm>>) dst(%arg7 : memref<64x768xf32, #tpu.memory_space<vmem>>)
      %mul3A_63 = arith.constant 64 : i32
      %mul3A_64 = arith.muli %add3A_47, %mul3A_63 : i32
      %add3A_65 = arith.addi %mul3A_2, %mul3A_64 : i32
      %dma_start3A_66 = arith.constant 0 : i32
      %dma_start3A_67 = tpu.memref_slice %arg4[%add3A_65, %dma_start3A_66] : memref<32768x768xf32, #tpu.memory_space<hbm>> -> memref<64x768xf32, #tpu.memory_space<hbm>>
      %dma_start3A_68 = arith.constant 0 : i32
      %dma_start3A_69 = tpu.memref_slice %arg4[%add3A_65, %dma_start3A_68] : memref<32768x768xf32, #tpu.memory_space<hbm>> -> memref<64x768xf32, #tpu.memory_space<hbm>>
      tpu.enqueue_dma source(%arg7 : memref<64x768xf32, #tpu.memory_space<vmem>>) target(%dma_start3A_69 : memref<64x768xf32, #tpu.memory_space<hbm>>) target_semaphore(%arg11 : memref<!tpu.dma_semaphore, #tpu.memory_space<semaphore_mem>>)
      %scan3A_70 = arith.constant 0 : i32
      scf.yield %scan3A_70 : i32
    }
    %scan3A_8 = arith.constant 8 : i32
    %add3A_9 = arith.constant 896 : i32
    %add3A_10 = arith.addi %mul3A_2, %add3A_9 : i32
    %dma_wait3A = arith.constant 0 : i32
    %dma_wait3A_11 = tpu.memref_slice %arg4[%add3A_10, %dma_wait3A] : memref<32768x768xf32, #tpu.memory_space<hbm>> -> memref<64x768xf32, #tpu.memory_space<hbm>>
    %dma_wait3A_12 = arith.constant 0 : i32
    %dma_wait3A_13 = tpu.memref_slice %arg4[%add3A_10, %dma_wait3A_12] : memref<32768x768xf32, #tpu.memory_space<hbm>> -> memref<64x768xf32, #tpu.memory_space<hbm>>
    tpu.wait_dma2 semaphore(%arg10 : memref<!tpu.dma_semaphore, #tpu.memory_space<semaphore_mem>>) src(%arg6 : memref<64x768xf32, #tpu.memory_space<vmem>>) dst(%dma_wait3A_13 : memref<64x768xf32, #tpu.memory_space<hbm>>)
    %add3A_14 = arith.constant 960 : i32
    %add3A_15 = arith.addi %mul3A_2, %add3A_14 : i32
    %dma_wait3A_16 = arith.constant 0 : i32
    %dma_wait3A_17 = tpu.memref_slice %arg4[%add3A_15, %dma_wait3A_16] : memref<32768x768xf32, #tpu.memory_space<hbm>> -> memref<64x768xf32, #tpu.memory_space<hbm>>
    %dma_wait3A_18 = arith.constant 0 : i32
    %dma_wait3A_19 = tpu.memref_slice %arg4[%add3A_15, %dma_wait3A_18] : memref<32768x768xf32, #tpu.memory_space<hbm>> -> memref<64x768xf32, #tpu.memory_space<hbm>>
    tpu.wait_dma2 semaphore(%arg11 : memref<!tpu.dma_semaphore, #tpu.memory_space<semaphore_mem>>) src(%arg7 : memref<64x768xf32, #tpu.memory_space<vmem>>) dst(%dma_wait3A_19 : memref<64x768xf32, #tpu.memory_space<hbm>>)
    return
  }
}

module attributes {stable_mosaic.version = 14 : i64} {
  func.func @_ln_body_first(%arg0: i32, %arg1: memref<16x128x768xf32, #tpu.memory_space<vmem>>, %arg2: memref<16x768xf32, #tpu.memory_space<vmem>>, %arg3: memref<1x768xf32, #tpu.memory_space<vmem>>, %arg4: memref<1x768xf32, #tpu.memory_space<vmem>>, %arg5: memref<1x768xf32, #tpu.memory_space<vmem>>, %arg6: memref<16x128x768xf32, #tpu.memory_space<vmem>>) attributes {dimension_semantics = [#tpu.dimension_semantics<arbitrary>], iteration_bounds = array<i64: 16>, scalar_prefetch = 0 : i64, scratch_operands = 0 : i64, tpu.core_type = #tpu.core_type<tc>, window_params = [{transform_indices = @transform_0, window_bounds = array<i64: 16, 128, 768>}, {transform_indices = @transform_1, window_bounds = array<i64: 16, 768>}, {pipeline_mode = #tpu.pipeline_mode<synchronous>, transform_indices = @transform_2, window_bounds = array<i64: 1, 768>}, {pipeline_mode = #tpu.pipeline_mode<synchronous>, transform_indices = @transform_3, window_bounds = array<i64: 1, 768>}, {pipeline_mode = #tpu.pipeline_mode<synchronous>, transform_indices = @transform_4, window_bounds = array<i64: 1, 768>}, {transform_indices = @transform_5, window_bounds = array<i64: 16, 128, 768>}]} {
    %get3A = arith.constant 0 : index
    %get3A_0 = arith.constant 0 : index
    %get3A_1 = arith.constant 0 : index
    %get3A_2 = vector.load %arg1[%get3A, %get3A_0, %get3A_1] : memref<16x128x768xf32, #tpu.memory_space<vmem>>, vector<16x128x768xf32>
    %get3A_3 = arith.constant 0 : index
    %get3A_4 = arith.constant 0 : index
    %get3A_5 = vector.load %arg2[%get3A_3, %get3A_4] : memref<16x768xf32, #tpu.memory_space<vmem>>, vector<16x768xf32>
    %broadcast_in_dim3A = vector.shape_cast %get3A_5 : vector<16x768xf32> to vector<16x1x768xf32>
    %add3A = vector.broadcast %broadcast_in_dim3A : vector<16x1x768xf32> to vector<16x128x768xf32>
    %add3A_6 = arith.addf %get3A_2, %add3A : vector<16x128x768xf32>
    %get3A_7 = arith.constant 0 : index
    %get3A_8 = arith.constant 0 : index
    %get3A_9 = vector.load %arg3[%get3A_7, %get3A_8] : memref<1x768xf32, #tpu.memory_space<vmem>>, vector<1x768xf32>
    %broadcast_in_dim3A_10 = vector.shape_cast %get3A_9 : vector<1x768xf32> to vector<1x1x768xf32>
    %add3A_11 = vector.broadcast %broadcast_in_dim3A_10 : vector<1x1x768xf32> to vector<16x128x768xf32>
    %add3A_12 = arith.addf %add3A_6, %add3A_11 : vector<16x128x768xf32>
    %reduce_sum3A = arith.constant dense<0.000000e+00> : vector<16x128xf32>
    %reduce_sum3A_13 = vector.multi_reduction <add>, %add3A_12, %reduce_sum3A [2] : vector<16x128x768xf32> to vector<16x128xf32>
    %broadcast_in_dim3A_14 = vector.shape_cast %reduce_sum3A_13 : vector<16x128xf32> to vector<16x128x1xf32>
    %div3A = arith.constant 7.680000e+02 : f32
    %div3A_15 = vector.broadcast %div3A : f32 to vector<16x128x1xf32>
    %div3A_16 = arith.divf %broadcast_in_dim3A_14, %div3A_15 : vector<16x128x1xf32>
    %sub3A = vector.broadcast %div3A_16 : vector<16x128x1xf32> to vector<16x128x768xf32>
    %sub3A_17 = arith.subf %add3A_12, %sub3A : vector<16x128x768xf32>
    %mul3A = arith.mulf %sub3A_17, %sub3A_17 : vector<16x128x768xf32>
    %reduce_sum3A_18 = arith.constant dense<0.000000e+00> : vector<16x128xf32>
    %reduce_sum3A_19 = vector.multi_reduction <add>, %mul3A, %reduce_sum3A_18 [2] : vector<16x128x768xf32> to vector<16x128xf32>
    %broadcast_in_dim3A_20 = vector.shape_cast %reduce_sum3A_19 : vector<16x128xf32> to vector<16x128x1xf32>
    %div3A_21 = arith.constant 7.680000e+02 : f32
    %div3A_22 = vector.broadcast %div3A_21 : f32 to vector<16x128x1xf32>
    %div3A_23 = arith.divf %broadcast_in_dim3A_20, %div3A_22 : vector<16x128x1xf32>
    %add3A_24 = arith.constant 9.99999996E-13 : f32
    %add3A_25 = vector.broadcast %add3A_24 : f32 to vector<16x128x1xf32>
    %add3A_26 = arith.addf %div3A_23, %add3A_25 : vector<16x128x1xf32>
    %rsqrt3A = math.rsqrt %add3A_26 : vector<16x128x1xf32>
    %mul3A_27 = vector.broadcast %rsqrt3A : vector<16x128x1xf32> to vector<16x128x768xf32>
    %mul3A_28 = arith.mulf %sub3A_17, %mul3A_27 : vector<16x128x768xf32>
    %get3A_29 = arith.constant 0 : index
    %get3A_30 = arith.constant 0 : index
    %get3A_31 = vector.load %arg4[%get3A_29, %get3A_30] : memref<1x768xf32, #tpu.memory_space<vmem>>, vector<1x768xf32>
    %broadcast_in_dim3A_32 = vector.shape_cast %get3A_31 : vector<1x768xf32> to vector<1x1x768xf32>
    %mul3A_33 = vector.broadcast %broadcast_in_dim3A_32 : vector<1x1x768xf32> to vector<16x128x768xf32>
    %mul3A_34 = arith.mulf %mul3A_28, %mul3A_33 : vector<16x128x768xf32>
    %get3A_35 = arith.constant 0 : index
    %get3A_36 = arith.constant 0 : index
    %get3A_37 = vector.load %arg5[%get3A_35, %get3A_36] : memref<1x768xf32, #tpu.memory_space<vmem>>, vector<1x768xf32>
    %broadcast_in_dim3A_38 = vector.shape_cast %get3A_37 : vector<1x768xf32> to vector<1x1x768xf32>
    %add3A_39 = vector.broadcast %broadcast_in_dim3A_38 : vector<1x1x768xf32> to vector<16x128x768xf32>
    %add3A_40 = arith.addf %mul3A_34, %add3A_39 : vector<16x128x768xf32>
    %swap3A = arith.constant 0 : index
    %swap3A_41 = arith.constant 0 : index
    %swap3A_42 = arith.constant 0 : index
    %swap3A_43 = vector.load %arg6[%swap3A, %swap3A_41, %swap3A_42] : memref<16x128x768xf32, #tpu.memory_space<vmem>>, vector<16x128x768xf32>
    tpu.vector_store %arg6[%swap3A, %swap3A_41, %swap3A_42], %add3A_40 {strides = array<i32>} : memref<16x128x768xf32, #tpu.memory_space<vmem>>, vector<16x128x768xf32>,
    return
  }
  func.func @transform_0(%arg0: i32) -> (i32, i32, i32) {
    %c0_i32 = arith.constant 0 : i32
    %c0_i32_0 = arith.constant 0 : i32
    %c0_i32_1 = arith.constant 0 : i32
    return %arg0, %c0_i32, %c0_i32_0 : i32, i32, i32
  }
  func.func @transform_1(%arg0: i32) -> (i32, i32) {
    %c0_i32 = arith.constant 0 : i32
    %c0_i32_0 = arith.constant 0 : i32
    return %arg0, %c0_i32 : i32, i32
  }
  func.func @transform_2(%arg0: i32) -> (i32, i32) {
    %c0_i32 = arith.constant 0 : i32
    %c0_i32_0 = arith.constant 0 : i32
    %c0_i32_1 = arith.constant 0 : i32
    return %c0_i32, %c0_i32_0 : i32, i32
  }
  func.func @transform_3(%arg0: i32) -> (i32, i32) {
    %c0_i32 = arith.constant 0 : i32
    %c0_i32_0 = arith.constant 0 : i32
    %c0_i32_1 = arith.constant 0 : i32
    return %c0_i32, %c0_i32_0 : i32, i32
  }
  func.func @transform_4(%arg0: i32) -> (i32, i32) {
    %c0_i32 = arith.constant 0 : i32
    %c0_i32_0 = arith.constant 0 : i32
    %c0_i32_1 = arith.constant 0 : i32
    return %c0_i32, %c0_i32_0 : i32, i32
  }
  func.func @transform_5(%arg0: i32) -> (i32, i32, i32) {
    %add3A = arith.constant 0 : i32
    %add3A_0 = arith.addi %add3A, %arg0 : i32
    %c0_i32 = arith.constant 0 : i32
    %c0_i32_1 = arith.constant 0 : i32
    %c0_i32_2 = arith.constant 0 : i32
    return %add3A_0, %c0_i32, %c0_i32_1 : i32, i32, i32
  }
}

module attributes {stable_mosaic.version = 14 : i64} {
  func.func @_ln_body_chain(%arg0: i32, %arg1: memref<16x128x768xf32, #tpu.memory_space<vmem>>, %arg2: memref<16x768xf32, #tpu.memory_space<vmem>>, %arg3: memref<1x768xf32, #tpu.memory_space<vmem>>, %arg4: memref<1x768xf32, #tpu.memory_space<vmem>>, %arg5: memref<1x768xf32, #tpu.memory_space<vmem>>, %arg6: memref<512x128x768xf32, #tpu.memory_space<any>>, %arg7: memref<16x128x768xf32, #tpu.memory_space<vmem>>) attributes {dimension_semantics = [#tpu.dimension_semantics<arbitrary>], iteration_bounds = array<i64: 16>, scalar_prefetch = 0 : i64, scratch_operands = 0 : i64, tpu.core_type = #tpu.core_type<tc>, window_params = [{transform_indices = @transform_0, window_bounds = array<i64: 16, 128, 768>}, {transform_indices = @transform_1, window_bounds = array<i64: 16, 768>}, {pipeline_mode = #tpu.pipeline_mode<synchronous>, transform_indices = @transform_2, window_bounds = array<i64: 1, 768>}, {pipeline_mode = #tpu.pipeline_mode<synchronous>, transform_indices = @transform_3, window_bounds = array<i64: 1, 768>}, {pipeline_mode = #tpu.pipeline_mode<synchronous>, transform_indices = @transform_4, window_bounds = array<i64: 1, 768>}, {}, {transform_indices = @transform_6, window_bounds = array<i64: 16, 128, 768>}]} {
    %get3A = arith.constant 0 : index
    %get3A_0 = arith.constant 0 : index
    %get3A_1 = arith.constant 0 : index
    %get3A_2 = vector.load %arg1[%get3A, %get3A_0, %get3A_1] : memref<16x128x768xf32, #tpu.memory_space<vmem>>, vector<16x128x768xf32>
    %get3A_3 = arith.constant 0 : index
    %get3A_4 = arith.constant 0 : index
    %get3A_5 = vector.load %arg2[%get3A_3, %get3A_4] : memref<16x768xf32, #tpu.memory_space<vmem>>, vector<16x768xf32>
    %broadcast_in_dim3A = vector.shape_cast %get3A_5 : vector<16x768xf32> to vector<16x1x768xf32>
    %add3A = vector.broadcast %broadcast_in_dim3A : vector<16x1x768xf32> to vector<16x128x768xf32>
    %add3A_6 = arith.addf %get3A_2, %add3A : vector<16x128x768xf32>
    %get3A_7 = arith.constant 0 : index
    %get3A_8 = arith.constant 0 : index
    %get3A_9 = vector.load %arg3[%get3A_7, %get3A_8] : memref<1x768xf32, #tpu.memory_space<vmem>>, vector<1x768xf32>
    %broadcast_in_dim3A_10 = vector.shape_cast %get3A_9 : vector<1x768xf32> to vector<1x1x768xf32>
    %add3A_11 = vector.broadcast %broadcast_in_dim3A_10 : vector<1x1x768xf32> to vector<16x128x768xf32>
    %add3A_12 = arith.addf %add3A_6, %add3A_11 : vector<16x128x768xf32>
    %reduce_sum3A = arith.constant dense<0.000000e+00> : vector<16x128xf32>
    %reduce_sum3A_13 = vector.multi_reduction <add>, %add3A_12, %reduce_sum3A [2] : vector<16x128x768xf32> to vector<16x128xf32>
    %broadcast_in_dim3A_14 = vector.shape_cast %reduce_sum3A_13 : vector<16x128xf32> to vector<16x128x1xf32>
    %div3A = arith.constant 7.680000e+02 : f32
    %div3A_15 = vector.broadcast %div3A : f32 to vector<16x128x1xf32>
    %div3A_16 = arith.divf %broadcast_in_dim3A_14, %div3A_15 : vector<16x128x1xf32>
    %sub3A = vector.broadcast %div3A_16 : vector<16x128x1xf32> to vector<16x128x768xf32>
    %sub3A_17 = arith.subf %add3A_12, %sub3A : vector<16x128x768xf32>
    %mul3A = arith.mulf %sub3A_17, %sub3A_17 : vector<16x128x768xf32>
    %reduce_sum3A_18 = arith.constant dense<0.000000e+00> : vector<16x128xf32>
    %reduce_sum3A_19 = vector.multi_reduction <add>, %mul3A, %reduce_sum3A_18 [2] : vector<16x128x768xf32> to vector<16x128xf32>
    %broadcast_in_dim3A_20 = vector.shape_cast %reduce_sum3A_19 : vector<16x128xf32> to vector<16x128x1xf32>
    %div3A_21 = arith.constant 7.680000e+02 : f32
    %div3A_22 = vector.broadcast %div3A_21 : f32 to vector<16x128x1xf32>
    %div3A_23 = arith.divf %broadcast_in_dim3A_20, %div3A_22 : vector<16x128x1xf32>
    %add3A_24 = arith.constant 9.99999996E-13 : f32
    %add3A_25 = vector.broadcast %add3A_24 : f32 to vector<16x128x1xf32>
    %add3A_26 = arith.addf %div3A_23, %add3A_25 : vector<16x128x1xf32>
    %rsqrt3A = math.rsqrt %add3A_26 : vector<16x128x1xf32>
    %mul3A_27 = vector.broadcast %rsqrt3A : vector<16x128x1xf32> to vector<16x128x768xf32>
    %mul3A_28 = arith.mulf %sub3A_17, %mul3A_27 : vector<16x128x768xf32>
    %get3A_29 = arith.constant 0 : index
    %get3A_30 = arith.constant 0 : index
    %get3A_31 = vector.load %arg4[%get3A_29, %get3A_30] : memref<1x768xf32, #tpu.memory_space<vmem>>, vector<1x768xf32>
    %broadcast_in_dim3A_32 = vector.shape_cast %get3A_31 : vector<1x768xf32> to vector<1x1x768xf32>
    %mul3A_33 = vector.broadcast %broadcast_in_dim3A_32 : vector<1x1x768xf32> to vector<16x128x768xf32>
    %mul3A_34 = arith.mulf %mul3A_28, %mul3A_33 : vector<16x128x768xf32>
    %get3A_35 = arith.constant 0 : index
    %get3A_36 = arith.constant 0 : index
    %get3A_37 = vector.load %arg5[%get3A_35, %get3A_36] : memref<1x768xf32, #tpu.memory_space<vmem>>, vector<1x768xf32>
    %broadcast_in_dim3A_38 = vector.shape_cast %get3A_37 : vector<1x768xf32> to vector<1x1x768xf32>
    %add3A_39 = vector.broadcast %broadcast_in_dim3A_38 : vector<1x1x768xf32> to vector<16x128x768xf32>
    %add3A_40 = arith.addf %mul3A_34, %add3A_39 : vector<16x128x768xf32>
    %swap3A = arith.constant 0 : index
    %swap3A_41 = arith.constant 0 : index
    %swap3A_42 = arith.constant 0 : index
    %swap3A_43 = vector.load %arg7[%swap3A, %swap3A_41, %swap3A_42] : memref<16x128x768xf32, #tpu.memory_space<vmem>>, vector<16x128x768xf32>
    tpu.vector_store %arg7[%swap3A, %swap3A_41, %swap3A_42], %add3A_40 {strides = array<i32>} : memref<16x128x768xf32, #tpu.memory_space<vmem>>, vector<16x128x768xf32>,
    return
  }
  func.func @transform_0(%arg0: i32) -> (i32, i32, i32) {
    %c0_i32 = arith.constant 0 : i32
    %c0_i32_0 = arith.constant 0 : i32
    %c0_i32_1 = arith.constant 0 : i32
    return %arg0, %c0_i32, %c0_i32_0 : i32, i32, i32
  }
  func.func @transform_1(%arg0: i32) -> (i32, i32) {
    %c0_i32 = arith.constant 0 : i32
    %c0_i32_0 = arith.constant 0 : i32
    return %arg0, %c0_i32 : i32, i32
  }
  func.func @transform_2(%arg0: i32) -> (i32, i32) {
    %c0_i32 = arith.constant 0 : i32
    %c0_i32_0 = arith.constant 0 : i32
    %c0_i32_1 = arith.constant 0 : i32
    return %c0_i32, %c0_i32_0 : i32, i32
  }
  func.func @transform_3(%arg0: i32) -> (i32, i32) {
    %c0_i32 = arith.constant 0 : i32
    %c0_i32_0 = arith.constant 0 : i32
    %c0_i32_1 = arith.constant 0 : i32
    return %c0_i32, %c0_i32_0 : i32, i32
  }
  func.func @transform_4(%arg0: i32) -> (i32, i32) {
    %c0_i32 = arith.constant 0 : i32
    %c0_i32_0 = arith.constant 0 : i32
    %c0_i32_1 = arith.constant 0 : i32
    return %c0_i32, %c0_i32_0 : i32, i32
  }
  func.func @transform_6(%arg0: i32) -> (i32, i32, i32) {
    %add3A = arith.constant 16 : i32
    %add3A_0 = arith.addi %add3A, %arg0 : i32
    %c0_i32 = arith.constant 0 : i32
    %c0_i32_1 = arith.constant 0 : i32
    %c0_i32_2 = arith.constant 0 : i32
    return %add3A_0, %c0_i32, %c0_i32_1 : i32, i32, i32
  }
}

</mosaic_0001>

<sc_bundles>
// kernel: kernel.6.cloned.1.call-start
scs
__scs_entry_jumppad:
0x0: {  	(pc) =	sbr.rel $0x88, $3  }
0x1: {  	(tag) =	ssettag $0x0;
	lr =	simm.s32 $0x1  }
0x2: {  	[smem:$0x3F9B] =	sst lr;
	_ =	strace $0xD0000000  }
0x3: {  	_ = 	snop  }
0x4: {  	_ = 	snop  }
0x5: {  	_ = 	snop  }
0x6: {  	_ = 	snop  }
0x7: {  	_ = 	snop  }
__scs_overlays_trampoline_lowered:
0x8: {  	[smem:$0x3FAA] =	sst s0  }
0x9: {  	[smem:$0x3FAB] =	sst s1  }
0xa: {  	[smem:$0x3FAC] =	sst s2  }
0xb: {  	[smem:$0x3FAD] =	sst s3  }
0xc: {  	[smem:$0x3FAE] =	sst s4  }
0xd: {  	[smem:$0x3FAF] =	sst s5  }
0xe: {  	[smem:$0x3FB0] =	sst s6  }
0xf: {  	[smem:$0x3FB1] =	sst s7  }
0x10: {  	[smem:$0x3FB2] =	sst s8  }
0x11: {  	[smem:$0x3FB3] =	sst s9;
	s0 =	simm.s32 @!p0 $0x0  }
0x12: {  	s1 =	sld [smem:$0x3F99];
	s0 =	simm.s32 @p0 $0x1  }
0x13: {  	[smem:$0x3FB4] =	sst s0;
	s0 =	simm.s32 @!p1 $0x0  }
0x14: {  	s2 =	sld [smem:$0x3F98];
	s0 =	simm.s32 @p1 $0x1  }
0x15: {  	[smem:$0x3FB5] =	sst s0;
	s0 =	simm.s32 @!p2 $0x0  }
0x16: {  	s3 =	sld [smem:$0x3FDB];
	s0 =	simm.s32 @p2 $0x1  }
0x17: {  	s4 =	simm.s32 $0x1BF5;
	[smem:$0x3FB7] =	sst s0  }
0x18: {  	s0 =	sld [smem:$0x3F9A];
	_ =	swait.ge [sflag:s4], $0x0  }
0x19: {  	s7 =	sld [smem:$0x3F9B]  }
0x1a: {  	s8 =	sadd.s32 $0xFFFFE003, lr  }
0x1b: {  	s9 =	sadd.s32 $0xFFFFFEF7, lr;
	s5 =	simm.s32 $0xFFFFFFFF;
	p2 =	slt.u32 s8, $0xFFFFF086  }
0x1c: {  	p1 =	slt.u32 s9, $0xF7A;
	s5 =	simm.s32 @!p2 $0x0  }
0x1d: {  	s5 =	simm.s32 @p1 $0x1;
	p0 =	seq.s32 s7, s2  }
0x1e: {  	s7 =	smul.u32 @!p0 $0xF7A, s2;
	p2 =	seq.s32 @!p0 s5, $0x0  }
0x1f: {  	s9 =	smul.u32 $0xF7A, s1;
	s8 =	simm.s32 @!p0 $0x1BF5;
	p2 =	por !p2, p0  }
0x20: {  	[sflag:s8] =	ssyncset.s32 @!p0 $0xFFFFF086;
	s6 =	sadd.s32 @!p0 s3, s7;
	s7 =	simm.s32 @!p0 $0x108  }
0x21: {  	s3 =	sadd.s32 s3, s9;
	s6 =	sadd.s32 @!p0 $0x88, s6;
	s7 =	simm.s32 @p2 $0x1082  }
0x22: {  	[simem:s7], [sflag:s8] =	dma.local @!p0 [hbm:s6], $0xF7A  }
0x23: {  	s9 =	sor.u32 $0xD0000000, s2;
	s6 =	simm.s32 $0x108;
	_ =	swait.ge @!p0 [sflag:s8], $0x0  }
0x24: {  	s3 =	sadd.s32 $0x88, s3;
	s6 =	simm.s32 @!p1 $0x1082;
	[sflag:s4] =	ssyncset.s32 $0xFFFFF086  }
0x25: {  	[simem:s6], [sflag:s4] =	dma.local [hbm:s3], $0xF7A  }
0x26: {  	[smem:$0x3F9B] =	sst s1;
	(tag) =	ssettag s2;
	_ =	strace s9  }
0x27: {  	s1 =	sld [smem:$0x3FAB]  }
0x28: {  	s2 =	sld [smem:$0x3FAC]  }
0x29: {  	s4 =	sld [smem:$0x3FAE]  }
0x2a: {  	p0 =	seq.s32 s5, $0x0;
	s5 =	sld [smem:$0x3FAF]  }
0x2b: {  	s6 =	sld [smem:$0x3FB0]  }
0x2c: {  	s7 =	sld [smem:$0x3FB1]  }
0x2d: {  	s3 =	simm.s32 $0x108;
	s8 =	sld [smem:$0x3FB2]  }
0x2e: {  	s3 =	simm.s32 @!p0 $0x1082;
	s9 =	sld [smem:$0x3FB3]  }
0x2f: {  	lr =	sadd.s32 s0, s3;
	s0 =	sld [smem:$0x3FAA]  }
0x30: {  	s3 =	sld [smem:$0x3FAD]  }
0x31: {  	[smem:$0x3FB6] =	sst s10  }
0x32: {  	s10 =	sld [smem:$0x3FB4];
	_ =	sdelay $0x3  }
0x33: {  	p0 =	seq.s32 s10, $0x1;
	s10 =	sld [smem:$0x3FB6];
	_ =	sdelay $0x3  }
0x34: {  	[smem:$0x3FB6] =	sst s10  }
0x35: {  	s10 =	sld [smem:$0x3FB5];
	_ =	sdelay $0x3  }
0x36: {  	p1 =	seq.s32 s10, $0x1;
	s10 =	sld [smem:$0x3FB6];
	_ =	sdelay $0x3  }
0x37: {  	[smem:$0x3FB6] =	sst s10  }
0x38: {  	s10 =	sld [smem:$0x3FB7]  }
0x39: {  	_ = 	snop;
	(pc) =	sbr.ind lr, $3  }
0x3a: {  	_ = 	snop  }
0x3b: {  	_ = 	snop  }
0x3c: {  	p2 =	seq.s32 s10, $0x1;
	s10 =	sld [smem:$0x3FB6]  }
0x3d: {  	_ =	shalt  }
0x3e: {  	_ =	shalt  }
0x3f: {  	_ =	shalt  }
0x40: {  	_ =	shalt  }
0x41: {  	_ =	shalt  }
0x42: {  	_ =	shalt  }
0x43: {  	_ =	shalt  }
0x44: {  	_ =	shalt  }
0x45: {  	_ =	shalt  }
0x46: {  	_ =	shalt  }
0x47: {  	_ =	shalt  }
0x48: {  	_ =	shalt  }
0x49: {  	_ =	shalt  }
0x4a: {  	_ =	shalt  }
0x4b: {  	_ =	shalt  }
0x4c: {  	_ =	shalt  }
0x4d: {  	_ =	shalt  }
0x4e: {  	_ =	shalt  }
0x4f: {  	_ =	shalt  }
0x50: {  	_ =	shalt  }
0x51: {  	_ =	shalt  }
0x52: {  	_ =	shalt  }
0x53: {  	_ =	shalt  }
0x54: {  	_ =	shalt  }
0x55: {  	_ =	shalt  }
0x56: {  	_ =	shalt  }
0x57: {  	_ =	shalt  }
0x58: {  	_ =	shalt  }
0x59: {  	_ =	shalt  }
0x5a: {  	_ =	shalt  }
0x5b: {  	_ =	shalt  }
0x5c: {  	_ =	shalt  }
0x5d: {  	_ =	shalt  }
0x5e: {  	_ =	shalt  }
0x5f: {  	_ =	shalt  }
0x60: {  	_ =	shalt  }
0x61: {  	_ =	shalt  }
0x62: {  	_ =	shalt  }
0x63: {  	_ =	shalt  }
0x64: {  	_ =	shalt  }
0x65: {  	_ =	shalt  }
0x66: {  	_ =	shalt  }
0x67: {  	_ =	shalt  }
0x68: {  	_ =	shalt  }
0x69: {  	_ =	shalt  }
0x6a: {  	_ =	shalt  }
0x6b: {  	_ =	shalt  }
0x6c: {  	_ =	shalt  }
0x6d: {  	_ =	shalt  }
0x6e: {  	_ =	shalt  }
0x6f: {  	_ =	shalt  }
0x70: {  	_ =	shalt  }
0x71: {  	_ =	shalt  }
0x72: {  	_ =	shalt  }
0x73: {  	_ =	shalt  }
0x74: {  	_ =	shalt  }
0x75: {  	_ =	shalt  }
0x76: {  	_ =	shalt  }
0x77: {  	_ =	shalt  }
0x78: {  	_ =	shalt  }
0x79: {  	_ =	shalt  }
0x7a: {  	_ =	shalt  }
0x7b: {  	_ =	shalt  }
0x7c: {  	_ =	shalt  }
0x7d: {  	_ =	shalt  }
0x7e: {  	_ =	shalt  }
0x7f: {  	_ =	shalt  }
0x80: {  	_ =	shalt  }
0x81: {  	_ =	shalt  }
0x82: {  	_ =	shalt  }
0x83: {  	_ =	shalt  }
0x84: {  	_ =	shalt  }
0x85: {  	_ =	shalt  }
0x86: {  	_ =	shalt  }
0x87: {  	_ =	shalt  }
.Lfunc_end0:
.L_simem_size_0:
called_computation_lowered:
.L_overlay_start_0:
0x88: {  	s2 =	sld [smem:$0x3FD9]  }
0x89: {  	s3 =	sld [smem:$0x3FFE];
	_ =	sdelay $0x1  }
0x8a: {  	s1 =	srdreg.scid  }
0x8b: {  	s0 =	sand.u32 $0x1, s1  }
0x8c: {  	s17 =	sshll.u32 s0, $0xA;
	s2 =	sadd.s32 s3, s2  }
0x8d: {  	s2 =	sadd.s32 s2, s17  }
0x8e: {  	[smem:$0x3FC2] =	sst s2  }
0x8f: {  	_ = 	snop  }
0x90: {  	s2 =	sld [smem:$0x3FC8]  }
0x91: {  	s18 =	sld [smem:$0x3FD0];
	(tm) =	ssettm $0x1  }
0x92: {  	s4 =	sld [smem:$0x3FFB];
	_ =	sdelay $0x3  }
0x93: {  	_ =	strace s4  }
0x94: {  	s4 =	sld [smem:$0x3FFC];
	_ =	sdelay $0x3  }
0x95: {  	_ =	strace s4  }
0x96: {  	s4 =	sld [smem:$0x3FFD];
	_ =	sdelay $0x3  }
0x97: {  	_ =	strace s4  }
0x98: {  	_ =	strace $0x8FFFFFFF  }
0x99: {  	s19 =	sld [smem:$0x3FDB];
	_ =	sdelay $0x1  }
0x9a: {  	s5 =	simm.s32 $_scs_section_size  }
0x9b: {  	s6 =	simm.s32 $_size__tile_overlayer_lowered;
	s7 =	simm.s32 $_tile_overlayer_lowered  }
0x9c: {  	s22 =	simm.s32 $0x1BFF;
	s21 =	sshll.u32 s7, $0x1;
	s4 =	sadd.s32 s5, s19  }
0x9d: {  	s8 =	simm.s32 $0x0;
	s20 =	sshll.u32 s6, $0x1;
	s6 =	sadd.s32 s21, s4  }
0x9e: {  	[timem:s8], [sflag:s22] =	dma.local [hbm:s6], s20  }
0x9f: {  	_ =	swait.ge [sflag:s22], s20  }
0xa0: {  	s5 =	ssub.s32 $0x0, s20;
	[sflag:s22] =	ssyncset.done $0x0  }
0xa1: {  	[sflag:s22] =	ssyncadd.s32 s5;
	_ =	sdelay $0x1  }
0xa2: {  	s23 =	simm.s32 $0x1B8B  }
0xa3: {  	_ =	swait.ge [sflag:s23], $0x1  }
0xa4: {  	[sflag:s23] =	ssyncset.done $0x0  }
0xa5: {  	s25 =	simm.s32 $0x1B8E;
	s24 =	sld [smem:$0x3FFE];
	[sflag:s23] =	ssyncadd.s32 $0xFFFFFFFF  }
0xa6: {  	s26 =	simm.s32 $execute0_lowered;
	[smem:$0x3FD2] =	sst s25  }
0xa7: {  	s6 =	sshll.u32 s26, $0x1;
	_ =	strace $0x80000046;
	[dreg:$0x1] =	wrdreg $0xFFFFFFFF  }
0xa8: {  	s28 =	simm.s32 $_size_execute0_lowered;
	s4 =	sadd.s32 s4, s6;
	[dreg:$0x0] =	wrdreg $0x0  }
0xa9: {  	s6 =	sshll.u32 s28, $0x1;
	[dreg:$0x2] =	wrdreg s4  }
0xaa: {  	[dreg:$0x3] =	wrdreg s6  }
0xab: {  	[dreg:$0x4] =	wrdreg $0xC0  }
0xac: {  	_ =	task [dreg:s8], $0x5FFFF  }
0xad: {  	[dreg:$0x1] =	wrdreg $0xFFFFFFFF  }
0xae: {  	[dreg:$0x0] =	wrdreg $0x60  }
0xaf: {  	[dreg:$0x2] =	wrdreg s2  }
0xb0: {  	[dreg:$0x3] =	wrdreg s18  }
0xb1: {  	[dreg:$0x4] =	wrdreg s24  }
0xb2: {  	[dreg:$0x5] =	wrdreg $0x9  }
0xb3: {  	_ =	task.clear_ibuf [dreg:s8], $0x6FFFF;
	_ =	strace $0x90000046  }
0xb4: {  	s29 =	simm.s32 $0x9;
	_ =	strace $0x80000048  }
0xb5: {  	_ =	swait.ge [sflag:s29], $0x1  }
0xb6: {  	[sflag:s29] =	ssyncadd.s32 $0xFFFFFFFF  }
0xb7: {  	_ =	strace $0x90000048  }
0xb8: {  	_ =	sfence  }
0xb9: {  	s30 =	sld [smem:$0x0];
	_ =	sdelay $0x2  }
0xba: {  	s31 =	sshll.u32 s1, $0xD;
	s1 =	sshrl.u32 s1, $0x2  }
0xbb: {  	s3 =	sand.u32 $0x4000, s31;
	s1 =	sadd.s32 s1, s30  }
0xbc: {  	s0 =	sor.u32 s3, s0;
	s1 =	sshll.u32 s1, $0x11  }
0xbd: {  	s0 =	sor.u32 s1, s0  }
0xbe: {  	s0 =	sadd.s32 $0x8F2B, s0  }
0xbf: {  	[sflag:s0] =	ssyncadd.remote.s32 $0x1  }
0xc0: {  	_ =	sfence.sel $0xFFFF  }
0xc1: {  	[dreg:$0x0] =	wrdreg $0xFFFFFFFF;
	(pc) =	sbr.abs _section_cstart, $3  }
0xc2: {  	[dreg:$0x1] =	wrdreg $0xFFFFFFFF  }
0xc3: {  	_ =	task.clear_ibuf [dreg:s8], $0x2FFFF;
	_ =	strace $0x9FFFFFFF  }
0xc4: {  	(tm) =	ssettm $0x7FFFFFFF  }
0xc5: {  	_ =	shalt  }
tec
execute0_lowered:
.L_overlay_start_1:
0x0: {  	(tag) =	ssettag $0x1  }
0x1: {  	s0 =	srdreg.scid  }
0x2: {  	s3 =	stileid.u32;
	s2 =	sand.u32 $0x1, s0  }
0x3: {  	s3 =	sshll.u32 s3, $0xB;
	s4 =	sshll.u32 s2, $0xA  }
0x4: {  	s1 =	rddreg [dreg:$0x0];
	s4 =	sor.u32 s4, s3  }
0x5: {  	s5 =	rddreg [dreg:$0x2];
	s3 =	sor.u32 $0x40, s4  }
0x6: {  	s0 =	rddreg [dreg:$0x1];
	s6 =	sshrl.u32 s3, $0x3;
	s3 =	simm.s32 $0x0  }
0x7: {  	s17 =	simm.s32 $0xC00;
	[smem:$0x7FF] =	sst s3  }
0x8: {  	s18 =	simm.s32 $0x1400;
	_ =	strace $0x80000047;
	[dreg:$0x6] =	wrdreg s17  }
0x9: {  	s19 =	simm.s32 $0x1C00;
	[dreg:$0x7] =	wrdreg s18  }
0xa: {  	s20 =	simm.s32 $0x2400;
	[dreg:$0x8] =	wrdreg s19  }
0xb: {  	s21 =	simm.s32 $0x2C00;
	[dreg:$0x9] =	wrdreg s20  }
0xc: {  	s22 =	simm.s32 $0x3400;
	[dreg:$0xa] =	wrdreg s21  }
0xd: {  	s23 =	simm.s32 $0x3C00;
	[dreg:$0xb] =	wrdreg s22  }
0xe: {  	s24 =	simm.s32 $0x4400;
	s25 =	simm.s32 $0x4C00;
	[dreg:$0xc] =	wrdreg s23  }
0xf: {  	s26 =	simm.s32 $0x5400;
	s8 =	simm.s32 $0x6C00;
	[dreg:$0xd] =	wrdreg s24  }
0x10: {  	s9 =	simm.s32 $0x7400;
	s10 =	simm.s32 $0x7C00;
	[dreg:$0xe] =	wrdreg s25  }
0x11: {  	s11 =	simm.s32 $0x8400;
	s12 =	simm.s32 $0x8C00;
	[dreg:$0xf] =	wrdreg s26  }
0x12: {  	s13 =	simm.s32 $0x9400;
	s14 =	simm.s32 $0x9C00;
	[dreg:$0x12] =	wrdreg s8  }
0x13: {  	s15 =	simm.s32 $0xA400;
	s28 =	simm.s32 $0x17C00;
	[dreg:$0x13] =	wrdreg s9  }
0x14: {  	s29 =	simm.s32 $0x2;
	s30 =	simm.s32 $0x3;
	[dreg:$0x14] =	wrdreg s10  }
0x15: {  	s31 =	simm.s32 $0x4;
	s2 =	ssub.s32 $0x2, s2;
	[dreg:$0x15] =	wrdreg s11  }
0x16: {  	s5 =	sadd.s32 $0x1400, s5;
	s16 =	sshrl.u32 s2, $0x1;
	[dreg:$0x16] =	wrdreg s12  }
0x17: {  	s4 =	sshrl.u32 s4, $0x3;
	s2 =	ssub.s32 s2, s16;
	[dreg:$0x17] =	wrdreg s13  }
0x18: {  	s16 =	simm.s32 $0x12400;
	s7 =	smul.u32 $0x300, s4;
	[dreg:$0x18] =	wrdreg s14  }
0x19: {  	s0 =	sadd.s32 s0, s4;
	s2 =	smax.u32 s2, $0x1;
	[dreg:$0x19] =	wrdreg s15  }
0x1a: {  	s6 =	smul.u32 $0x300, s6;
	s17 =	simm.s32 $0xAC00;
	[smem:$0x7F8] =	sst s0  }
0x1b: {  	s18 =	simm.s32 $0xB400;
	s19 =	simm.s32 $0xBC00;
	[smem:$0x7F9] =	sst s2  }
0x1c: {  	s20 =	simm.s32 $0xCC00;
	s21 =	simm.s32 $0xD400;
	[dreg:$0x1a] =	wrdreg s17  }
0x1d: {  	s22 =	simm.s32 $0xDC00;
	s23 =	simm.s32 $0xE400;
	[dreg:$0x1b] =	wrdreg s18  }
0x1e: {  	s9 =	simm.s32 $0x400;
	s24 =	simm.s32 $0xEC00;
	[dreg:$0x1c] =	wrdreg s19  }
0x1f: {  	s10 =	simm.s32 $0x1;
	s25 =	simm.s32 $0xF400;
	[dreg:$0x1d] =	wrdreg s20  }
0x20: {  	s11 =	simm.s32 $0xC400;
	s26 =	simm.s32 $0xFC00;
	[dreg:$0x1e] =	wrdreg s21  }
0x21: {  	s12 =	simm.s32 $0x10400;
	s13 =	simm.s32 $0x10C00;
	[dreg:$0x1f] =	wrdreg s22  }
0x22: {  	s14 =	simm.s32 $0x11400;
	s15 =	simm.s32 $0x11C00;
	[smem:$0x7FA] =	sst s23  }
0x23: {  	s2 =	simm.s32 $0x0;
	s6 =	sadd.s32 s6, s5;
	[smem:$0x7FB] =	sst s24  }
0x24: {  	s5 =	sadd.s32 s7, s5;
	s7 =	simm.s32 $0x6400;
	[smem:$0x7FC] =	sst s25  }
0x25: {  	[smem:$0x7FD] =	sst s26;
	s17 =	simm.s32 $0x12C00;
	s18 =	simm.s32 $0x13400  }
0x26: {  	s19 =	simm.s32 $0x13C00;
	s20 =	simm.s32 $0x14400;
	s21 =	simm.s32 $0x14C00  }
0x27: {  	s22 =	simm.s32 $0x15400;
	s23 =	simm.s32 $0x15C00;
	[dreg:$0x4] =	wrdreg s6  }
0x28: {  	v2 =	vlaneseq.u32;
	s24 =	simm.s32 $0x16400;
	s25 =	simm.s32 $0x16C00;
	[dreg:$0x5] =	wrdreg s5  }
0x29: {  	vm0 =	vmmov $0xffff;
	v1 =	vshrl.u32 v2, $0x3;
	s26 =	simm.s32 $0x17400;
	s6 =	simm.s32 $0x5C00;
	[dreg:$0x11] =	wrdreg s7  }
0x2a: {  	v0 =	vand.u32 $0x7, v2;
	v2 =	vor.u32 $0x8, v2;
	v1 =	vmul.u32 $0x8, v1;
	s5 =	sadd.s32 $0x100, s1;
	[dreg:$0x10] =	wrdreg s6;
	s6 =	sadd.s32 $0x200, s1  }
.LBB2_1:
0x2b: {  	s0 =	sld [smem:$0x7F8];
	_ =	sdelay $0x1  }
0x2c: {  	s8 =	simm.s32 $0x5  }
0x2d: {  	[tilespmem:s3], [sflag:$0x5] =	stream.linear.gather [hbm4b:s0+s3], $0x400, $0x38;
	[tilespmem:$0x18400] =	vst v63  }
0x2e: {  	_ =	swait.ge [sflag:s8], $0x400  }
0x2f: {  	[sflag:s8] =	ssyncset.done $0x0  }
0x30: {  	s4 =	simm.s32 $0x0;
	s0 =	simm.s32 $0x40;
	[sflag:s8] =	ssyncadd.s32 $0xFFFFFC00  }
.LBB2_2:
0x31: {  	p0 =	seq.s32 s4, $0x0  }
0x32: {  	s7 =	simm.s32 @!p0 $0x3  }
0x33: {  	_ =	swait.ge @!p0 [sflag:s7], $0xC000  }
0x34: {  	[sflag:s7] =	ssyncset.done @!p0 $0x0  }
0x35: {  	[sflag:s7] =	ssyncadd.s32 @!p0 $0xFFFF4000  }
0x36: {  	v3 =	vld [tilespmem:s0+$0xFFFFFFC0];
	_ =	sdelay $0x4  }
0x37: {  	v4 =	vshrl.u32 v3, $0x3  }
0x38: {  	v4 =	vmul.u32 $0x30, v4  }
0x39: {  	v3 =	vand.u32 $0x7, v3  }
0x3a: {  	v3 =	vor.u32 v3, v4  }
0x3b: {  	v4 =	vperm.xlane v3, v0;
	_ =	sdelay $0x1  }
0x3c: {  	v4 =	vadd.s32 v1, v4;
	_ =	sdelay $0x3  }
0x3d: {  	v3 =	vperm.xlane v3, v2  }
0x3e: {  	[tilespmem:s9], [sflag:$0x1] =	stream.indirect_vreg.gather [hbm4b:s1+s3], $0x80, v4, vm0, $0xb8;
	[tilespmem:$0x18400] =	vst v63  }
0x3f: {  	s7 =	rddreg [dreg:$0x6];
	v3 =	vadd.s32 v1, v3  }
0x40: {  	[tilespmem:s7], [sflag:$0x1] =	stream.indirect_vreg.gather [hbm4b:s5+s3], $0x80, v4, vm0, $0xb8;
	[tilespmem:$0x18400] =	vst v63  }
0x41: {  	s8 =	rddreg [dreg:$0x7]  }
0x42: {  	[tilespmem:s8], [sflag:$0x1] =	stream.indirect_vreg.gather [hbm4b:s6+s3], $0x80, v4, vm0, $0xb8;
	[tilespmem:$0x18400] =	vst v63  }
0x43: {  	s7 =	rddreg [dreg:$0x8]  }
0x44: {  	[tilespmem:s7], [sflag:$0x1] =	stream.indirect_vreg.gather [hbm4b:s1+s3], $0x80, v3, vm0, $0xb8;
	[tilespmem:$0x18400] =	vst v63  }
0x45: {  	s8 =	rddreg [dreg:$0x9]  }
0x46: {  	[tilespmem:s8], [sflag:$0x1] =	stream.indirect_vreg.gather [hbm4b:s5+s3], $0x80, v3, vm0, $0xb8;
	[tilespmem:$0x18400] =	vst v63  }
0x47: {  	s7 =	rddreg [dreg:$0xa]  }
0x48: {  	[tilespmem:s7], [sflag:$0x1] =	stream.indirect_vreg.gather [hbm4b:s6+s3], $0x80, v3, vm0, $0xb8;
	[tilespmem:$0x18400] =	vst v63  }
0x49: {  	v3 =	vld [tilespmem:s0+$0xFFFFFFD0];
	_ =	sdelay $0x4  }
0x4a: {  	v57 =	vshrl.u32 v3, $0x3  }
0x4b: {  	v4 =	vmul.u32 $0x30, v57  }
0x4c: {  	v3 =	vand.u32 $0x7, v3  }
0x4d: {  	v3 =	vor.u32 v3, v4  }
0x4e: {  	v4 =	vperm.xlane v3, v0;
	_ =	sdelay $0x1  }
0x4f: {  	v4 =	vadd.s32 v1, v4;
	_ =	sdelay $0x3  }
0x50: {  	s7 =	rddreg [dreg:$0xb];
	v3 =	vperm.xlane v3, v2  }
0x51: {  	[tilespmem:s7], [sflag:$0x1] =	stream.indirect_vreg.gather [hbm4b:s1+s3], $0x80, v4, vm0, $0xb8;
	[tilespmem:$0x18400] =	vst v63  }
0x52: {  	s8 =	rddreg [dreg:$0xc];
	v3 =	vadd.s32 v1, v3  }
0x53: {  	[tilespmem:s8], [sflag:$0x1] =	stream.indirect_vreg.gather [hbm4b:s5+s3], $0x80, v4, vm0, $0xb8;
	[tilespmem:$0x18400] =	vst v63  }
0x54: {  	s7 =	rddreg [dreg:$0xd]  }
0x55: {  	[tilespmem:s7], [sflag:$0x1] =	stream.indirect_vreg.gather [hbm4b:s6+s3], $0x80, v4, vm0, $0xb8;
	[tilespmem:$0x18400] =	vst v63  }
0x56: {  	s8 =	rddreg [dreg:$0xe]  }
0x57: {  	[tilespmem:s8], [sflag:$0x1] =	stream.indirect_vreg.gather [hbm4b:s1+s3], $0x80, v3, vm0, $0xb8;
	[tilespmem:$0x18400] =	vst v63  }
0x58: {  	s7 =	rddreg [dreg:$0xf]  }
0x59: {  	[tilespmem:s7], [sflag:$0x1] =	stream.indirect_vreg.gather [hbm4b:s5+s3], $0x80, v3, vm0, $0xb8;
	[tilespmem:$0x18400] =	vst v63  }
0x5a: {  	s8 =	rddreg [dreg:$0x10]  }
0x5b: {  	[tilespmem:s8], [sflag:$0x1] =	stream.indirect_vreg.gather [hbm4b:s6+s3], $0x80, v3, vm0, $0xb8;
	[tilespmem:$0x18400] =	vst v63  }
0x5c: {  	v3 =	vld [tilespmem:s0+$0xFFFFFFE0];
	_ =	sdelay $0x4  }
0x5d: {  	v58 =	vshrl.u32 v3, $0x3  }
0x5e: {  	v4 =	vmul.u32 $0x30, v58  }
0x5f: {  	v3 =	vand.u32 $0x7, v3  }
0x60: {  	v3 =	vor.u32 v3, v4  }
0x61: {  	v4 =	vperm.xlane v3, v0;
	_ =	sdelay $0x1  }
0x62: {  	v4 =	vadd.s32 v1, v4;
	_ =	sdelay $0x3  }
0x63: {  	s7 =	rddreg [dreg:$0x11];
	v3 =	vperm.xlane v3, v2  }
0x64: {  	[tilespmem:s7], [sflag:$0x1] =	stream.indirect_vreg.gather [hbm4b:s1+s3], $0x80, v4, vm0, $0xb8;
	[tilespmem:$0x18400] =	vst v63  }
0x65: {  	s8 =	rddreg [dreg:$0x12];
	v3 =	vadd.s32 v1, v3  }
0x66: {  	[tilespmem:s8], [sflag:$0x1] =	stream.indirect_vreg.gather [hbm4b:s5+s3], $0x80, v4, vm0, $0xb8;
	[tilespmem:$0x18400] =	vst v63  }
0x67: {  	s7 =	rddreg [dreg:$0x13]  }
0x68: {  	[tilespmem:s7], [sflag:$0x1] =	stream.indirect_vreg.gather [hbm4b:s6+s3], $0x80, v4, vm0, $0xb8;
	[tilespmem:$0x18400] =	vst v63  }
0x69: {  	s8 =	rddreg [dreg:$0x14]  }
0x6a: {  	[tilespmem:s8], [sflag:$0x1] =	stream.indirect_vreg.gather [hbm4b:s1+s3], $0x80, v3, vm0, $0xb8;
	[tilespmem:$0x18400] =	vst v63  }
0x6b: {  	s7 =	rddreg [dreg:$0x15]  }
0x6c: {  	[tilespmem:s7], [sflag:$0x1] =	stream.indirect_vreg.gather [hbm4b:s5+s3], $0x80, v3, vm0, $0xb8;
	[tilespmem:$0x18400] =	vst v63  }
0x6d: {  	s8 =	rddreg [dreg:$0x16]  }
0x6e: {  	[tilespmem:s8], [sflag:$0x1] =	stream.indirect_vreg.gather [hbm4b:s6+s3], $0x80, v3, vm0, $0xb8;
	[tilespmem:$0x18400] =	vst v63  }
0x6f: {  	v3 =	vld [tilespmem:s0+$0xFFFFFFF0];
	_ =	sdelay $0x4  }
0x70: {  	v59 =	vshrl.u32 v3, $0x3  }
0x71: {  	v4 =	vmul.u32 $0x30, v59  }
0x72: {  	v3 =	vand.u32 $0x7, v3  }
0x73: {  	v3 =	vor.u32 v3, v4  }
0x74: {  	v4 =	vperm.xlane v3, v0;
	_ =	sdelay $0x1  }
0x75: {  	v4 =	vadd.s32 v1, v4;
	_ =	sdelay $0x3  }
0x76: {  	s7 =	rddreg [dreg:$0x17];
	v3 =	vperm.xlane v3, v2  }
0x77: {  	[tilespmem:s7], [sflag:$0x1] =	stream.indirect_vreg.gather [hbm4b:s1+s3], $0x80, v4, vm0, $0xb8;
	[tilespmem:$0x18400] =	vst v63  }
0x78: {  	s8 =	rddreg [dreg:$0x18];
	v3 =	vadd.s32 v1, v3  }
0x79: {  	[tilespmem:s8], [sflag:$0x1] =	stream.indirect_vreg.gather [hbm4b:s5+s3], $0x80, v4, vm0, $0xb8;
	[tilespmem:$0x18400] =	vst v63  }
0x7a: {  	s7 =	rddreg [dreg:$0x19]  }
0x7b: {  	[tilespmem:s7], [sflag:$0x1] =	stream.indirect_vreg.gather [hbm4b:s6+s3], $0x80, v4, vm0, $0xb8;
	[tilespmem:$0x18400] =	vst v63  }
0x7c: {  	s8 =	rddreg [dreg:$0x1a]  }
0x7d: {  	[tilespmem:s8], [sflag:$0x1] =	stream.indirect_vreg.gather [hbm4b:s1+s3], $0x80, v3, vm0, $0xb8;
	[tilespmem:$0x18400] =	vst v63  }
0x7e: {  	s7 =	rddreg [dreg:$0x1b]  }
0x7f: {  	[tilespmem:s7], [sflag:$0x1] =	stream.indirect_vreg.gather [hbm4b:s5+s3], $0x80, v3, vm0, $0xb8;
	[tilespmem:$0x18400] =	vst v63  }
0x80: {  	s8 =	rddreg [dreg:$0x1c]  }
0x81: {  	[tilespmem:s8], [sflag:$0x1] =	stream.indirect_vreg.gather [hbm4b:s6+s3], $0x80, v3, vm0, $0xb8;
	[tilespmem:$0x18400] =	vst v63  }
0x82: {  	_ =	swait.ge [sflag:s10], $0xC000  }
0x83: {  	s8 =	rddreg [dreg:$0x5];
	[sflag:s10] =	ssyncset.done $0x0  }
0x84: {  	[sflag:s10] =	ssyncadd.s32 $0xFFFF4000;
	s7 =	sadd.s32 s4, s8  }
0x85: {  	[hbm4b:s7+s3] =	stream.linear.scatter [tilespmem:s9], [sflag:$0x3], $0xC000, $0x38;
	[tilespmem:$0x18400] =	vst v63  }
0x86: {  	s7 =	simm.s32 @!p0 $0x4  }
0x87: {  	_ =	swait.ge @!p0 [sflag:s7], $0xC000  }
0x88: {  	[sflag:s7] =	ssyncset.done @!p0 $0x0  }
0x89: {  	[sflag:s7] =	ssyncadd.s32 @!p0 $0xFFFF4000  }
0x8a: {  	v3 =	vld [tilespmem:s0+$0x0];
	_ =	sdelay $0x4  }
0x8b: {  	v60 =	vshrl.u32 v3, $0x3  }
0x8c: {  	v4 =	vmul.u32 $0x30, v60  }
0x8d: {  	v3 =	vand.u32 $0x7, v3  }
0x8e: {  	v3 =	vor.u32 v3, v4  }
0x8f: {  	v4 =	vperm.xlane v3, v0;
	_ =	sdelay $0x1  }
0x90: {  	v4 =	vadd.s32 v1, v4;
	_ =	sdelay $0x3  }
0x91: {  	s8 =	rddreg [dreg:$0x1e];
	v3 =	vperm.xlane v3, v2  }
0x92: {  	[tilespmem:s11], [sflag:$0x2] =	stream.indirect_vreg.gather [hbm4b:s1+s3], $0x80, v4, vm0, $0xb8;
	[tilespmem:$0x18400] =	vst v63  }
0x93: {  	s7 =	rddreg [dreg:$0x1d];
	v3 =	vadd.s32 v1, v3  }
0x94: {  	[tilespmem:s7], [sflag:$0x2] =	stream.indirect_vreg.gather [hbm4b:s5+s3], $0x80, v4, vm0, $0xb8;
	[tilespmem:$0x18400] =	vst v63  }
0x95: {  	s7 =	rddreg [dreg:$0x1f]  }
0x96: {  	[tilespmem:s8], [sflag:$0x2] =	stream.indirect_vreg.gather [hbm4b:s6+s3], $0x80, v4, vm0, $0xb8;
	[tilespmem:$0x18400] =	vst v63  }
0x97: {  	s8 =	sld [smem:$0x7FA]  }
0x98: {  	[tilespmem:s7], [sflag:$0x2] =	stream.indirect_vreg.gather [hbm4b:s1+s3], $0x80, v3, vm0, $0xb8;
	[tilespmem:$0x18400] =	vst v63  }
0x99: {  	s7 =	sld [smem:$0x7FB]  }
0x9a: {  	[tilespmem:s8], [sflag:$0x2] =	stream.indirect_vreg.gather [hbm4b:s5+s3], $0x80, v3, vm0, $0xb8;
	[tilespmem:$0x18400] =	vst v63  }
0x9b: {  	_ = 	snop  }
0x9c: {  	[tilespmem:s7], [sflag:$0x2] =	stream.indirect_vreg.gather [hbm4b:s6+s3], $0x80, v3, vm0, $0xb8;
	[tilespmem:$0x18400] =	vst v63  }
0x9d: {  	v3 =	vld [tilespmem:s0+$0x10];
	_ =	sdelay $0x4  }
0x9e: {  	v61 =	vshrl.u32 v3, $0x3  }
0x9f: {  	v4 =	vmul.u32 $0x30, v61  }
0xa0: {  	v3 =	vand.u32 $0x7, v3  }
0xa1: {  	v3 =	vor.u32 v3, v4  }
0xa2: {  	v4 =	vperm.xlane v3, v0;
	_ =	sdelay $0x1  }
0xa3: {  	v4 =	vadd.s32 v1, v4;
	_ =	sdelay $0x1  }
0xa4: {  	s7 =	sld [smem:$0x7FC];
	_ =	sdelay $0x1  }
0xa5: {  	s8 =	sld [smem:$0x7FD];
	v3 =	vperm.xlane v3, v2  }
0xa6: {  	[tilespmem:s7], [sflag:$0x2] =	stream.indirect_vreg.gather [hbm4b:s1+s3], $0x80, v4, vm0, $0xb8;
	[tilespmem:$0x18400] =	vst v63  }
0xa7: {  	v3 =	vadd.s32 v1, v3  }
0xa8: {  	[tilespmem:s8], [sflag:$0x2] =	stream.indirect_vreg.gather [hbm4b:s5+s3], $0x80, v4, vm0, $0xb8;
	[tilespmem:$0x18400] =	vst v63  }
0xa9: {  	_ = 	snop  }
0xaa: {  	[tilespmem:s12], [sflag:$0x2] =	stream.indirect_vreg.gather [hbm4b:s6+s3], $0x80, v4, vm0, $0xb8;
	[tilespmem:$0x18400] =	vst v63  }
0xab: {  	_ = 	snop  }
0xac: {  	[tilespmem:s13], [sflag:$0x2] =	stream.indirect_vreg.gather [hbm4b:s1+s3], $0x80, v3, vm0, $0xb8;
	[tilespmem:$0x18400] =	vst v63  }
0xad: {  	_ = 	snop  }
0xae: {  	[tilespmem:s14], [sflag:$0x2] =	stream.indirect_vreg.gather [hbm4b:s5+s3], $0x80, v3, vm0, $0xb8;
	[tilespmem:$0x18400] =	vst v63  }
0xaf: {  	_ = 	snop  }
0xb0: {  	[tilespmem:s15], [sflag:$0x2] =	stream.indirect_vreg.gather [hbm4b:s6+s3], $0x80, v3, vm0, $0xb8;
	[tilespmem:$0x18400] =	vst v63  }
0xb1: {  	v3 =	vld [tilespmem:s0+$0x20];
	_ =	sdelay $0x4  }
0xb2: {  	v62 =	vshrl.u32 v3, $0x3  }
0xb3: {  	v4 =	vmul.u32 $0x30, v62  }
0xb4: {  	v3 =	vand.u32 $0x7, v3  }
0xb5: {  	v3 =	vor.u32 v3, v4  }
0xb6: {  	v4 =	vperm.xlane v3, v0;
	_ =	sdelay $0x1  }
0xb7: {  	v4 =	vadd.s32 v1, v4;
	_ =	sdelay $0x3  }
0xb8: {  	v3 =	vperm.xlane v3, v2  }
0xb9: {  	[tilespmem:s16], [sflag:$0x2] =	stream.indirect_vreg.gather [hbm4b:s1+s3], $0x80, v4, vm0, $0xb8;
	[tilespmem:$0x18400] =	vst v63  }
0xba: {  	v3 =	vadd.s32 v1, v3  }
0xbb: {  	[tilespmem:s17], [sflag:$0x2] =	stream.indirect_vreg.gather [hbm4b:s5+s3], $0x80, v4, vm0, $0xb8;
	[tilespmem:$0x18400] =	vst v63  }
0xbc: {  	_ = 	snop  }
0xbd: {  	[tilespmem:s18], [sflag:$0x2] =	stream.indirect_vreg.gather [hbm4b:s6+s3], $0x80, v4, vm0, $0xb8;
	[tilespmem:$0x18400] =	vst v63  }
0xbe: {  	_ = 	snop  }
0xbf: {  	[tilespmem:s19], [sflag:$0x2] =	stream.indirect_vreg.gather [hbm4b:s1+s3], $0x80, v3, vm0, $0xb8;
	[tilespmem:$0x18400] =	vst v63  }
0xc0: {  	_ = 	snop  }
0xc1: {  	[tilespmem:s20], [sflag:$0x2] =	stream.indirect_vreg.gather [hbm4b:s5+s3], $0x80, v3, vm0, $0xb8;
	[tilespmem:$0x18400] =	vst v63  }
0xc2: {  	_ = 	snop  }
0xc3: {  	[tilespmem:s21], [sflag:$0x2] =	stream.indirect_vreg.gather [hbm4b:s6+s3], $0x80, v3, vm0, $0xb8;
	[tilespmem:$0x18400] =	vst v63  }
0xc4: {  	v3 =	vld [tilespmem:s0+$0x30];
	_ =	sdelay $0x4  }
0xc5: {  	v63 =	vshrl.u32 v3, $0x3  }
0xc6: {  	v4 =	vmul.u32 $0x30, v63  }
0xc7: {  	v3 =	vand.u32 $0x7, v3  }
0xc8: {  	v3 =	vor.u32 v3, v4  }
0xc9: {  	v4 =	vperm.xlane v3, v0;
	_ =	sdelay $0x1  }
0xca: {  	v4 =	vadd.s32 v1, v4;
	_ =	sdelay $0x3  }
0xcb: {  	v3 =	vperm.xlane v3, v2  }
0xcc: {  	[tilespmem:s22], [sflag:$0x2] =	stream.indirect_vreg.gather [hbm4b:s1+s3], $0x80, v4, vm0, $0xb8;
	[tilespmem:$0x18400] =	vst v63  }
0xcd: {  	v3 =	vadd.s32 v1, v3  }
0xce: {  	[tilespmem:s23], [sflag:$0x2] =	stream.indirect_vreg.gather [hbm4b:s5+s3], $0x80, v4, vm0, $0xb8;
	[tilespmem:$0x18400] =	vst v63  }
0xcf: {  	_ = 	snop  }
0xd0: {  	[tilespmem:s24], [sflag:$0x2] =	stream.indirect_vreg.gather [hbm4b:s6+s3], $0x80, v4, vm0, $0xb8;
	[tilespmem:$0x18400] =	vst v63  }
0xd1: {  	_ = 	snop  }
0xd2: {  	[tilespmem:s25], [sflag:$0x2] =	stream.indirect_vreg.gather [hbm4b:s1+s3], $0x80, v3, vm0, $0xb8;
	[tilespmem:$0x18400] =	vst v63  }
0xd3: {  	_ = 	snop  }
0xd4: {  	[tilespmem:s26], [sflag:$0x2] =	stream.indirect_vreg.gather [hbm4b:s5+s3], $0x80, v3, vm0, $0xb8;
	[tilespmem:$0x18400] =	vst v63  }
0xd5: {  	_ = 	snop  }
0xd6: {  	[tilespmem:s28], [sflag:$0x2] =	stream.indirect_vreg.gather [hbm4b:s6+s3], $0x80, v3, vm0, $0xb8;
	[tilespmem:$0x18400] =	vst v63  }
0xd7: {  	_ =	swait.ge [sflag:s29], $0xC000  }
0xd8: {  	s8 =	rddreg [dreg:$0x4]  }
0xd9: {  	s7 =	sadd.s32 s4, s8;
	s4 =	sadd.s32 $0x3000, s4  }
0xda: {  	p0 =	sne.s32 s4, $0x18000  }
.Ltmp0:
0xdb: {  	_ = 	snop;
	(pc) =	sbr.rel @p0 .LBB2_2-.Ltmp0, $4  }
0xdc: {  	_ = 	snop  }
0xdd: {  	[sflag:s29] =	ssyncset.done $0x0  }
0xde: {  	s0 =	sadd.s32 $0x80, s0;
	[sflag:s29] =	ssyncadd.s32 $0xFFFF4000  }
0xdf: {  	[hbm4b:s7+s3] =	stream.linear.scatter [tilespmem:s11], [sflag:$0x4], $0xC000, $0x38;
	[tilespmem:$0x18400] =	vst v63  }
0xe0: {  	_ =	swait.ge [sflag:s30], $0xC000  }
0xe1: {  	[sflag:s30] =	ssyncset.done $0x0  }
0xe2: {  	[sflag:s30] =	ssyncadd.s32 $0xFFFF4000  }
0xe3: {  	_ =	swait.ge [sflag:s31], $0xC000  }
0xe4: {  	s0 =	sld [smem:$0x7F9];
	_ =	sdelay $0x1  }
0xe5: {  	s2 =	sadd.s32 $0x1, s2  }
0xe6: {  	p0 =	sne.s32 s2, s0  }
.Ltmp1:
0xe7: {  	_ = 	snop;
	(pc) =	sbr.rel @p0 .LBB2_1-.Ltmp1, $3  }
0xe8: {  	_ =	sdelay $0x1  }
0xe9: {  	[sflag:s31] =	ssyncset.done $0x0  }
0xea: {  	[sflag:s31] =	ssyncadd.s32 $0xFFFF4000  }
0xeb: {  	_ =	sfence.sel $0x180000  }
0xec: {  	[bflag:$0x0] =	sbarrier.arrive $0xFFFF  }
0xed: {  	_ =	strace $0x90000047  }
0xee: {  	s0 =	stileid.u32;
	[bflag:$0x2] =	sbarrier.arrive $0xFFFF  }
0xef: {  	p0 =	sne.s32 s0, $0x0;
	s0 =	rddreg [dreg:$0x3]  }
0xf0: {  	s0 =	sadd.s32 @!p0 $0x100000, s0  }
0xf1: {  	[sflag:s0] =	ssyncadd.tile.s32 @!p0 $0x1;
	_ =	shalt  }
.Lfunc_end2:
_tile_overlayer_lowered:
.L_overlay_start_2:
0xf2: {  	(tag) =	ssettag $0x2  }
0xf3: {  	s0 =	rddreg [dreg:$0x0];
	s2 =	stileid.u32  }
0xf4: {  	s1 =	rddreg [dreg:$0x1];
	p0 =	sne.s32 s2, $0x0  }
0xf5: {  	s3 =	rddreg [dreg:$0x2];
	[bflag:$0x3] =	sbarrier.arrive $0xFFFF;
	s2 =	simm.s32 @!p0 $0x1C05  }
0xf6: {  	[timem:s3], [sflag:s2] =	dma.local @!p0 [hbm:s0], s1  }
0xf7: {  	s0 =	simm.s32 @!p0 $0x5  }
0xf8: {  	_ =	swait.ge @!p0 [sflag:s0], s1  }
0xf9: {  	s1 =	ssub.s32 @!p0 $0x0, s1;
	[sflag:s0] =	ssyncset.done @!p0 $0x0  }
0xfa: {  	[sflag:s0] =	ssyncadd.s32 @!p0 s1  }
0xfb: {  	[bflag:$0x3] =	sbarrier.arrive $0xFFFF  }
0xfc: {  	_ =	shalt  }

// kernel: kernel.9.cloned.1.call-start
scs
__scs_entry_jumppad:
0x0: {  	(pc) =	sbr.rel $0x88, $3  }
0x1: {  	(tag) =	ssettag $0x0;
	lr =	simm.s32 $0x1  }
0x2: {  	[smem:$0x3F9B] =	sst lr;
	_ =	strace $0xD0000000  }
0x3: {  	_ = 	snop  }
0x4: {  	_ = 	snop  }
0x5: {  	_ = 	snop  }
0x6: {  	_ = 	snop  }
0x7: {  	_ = 	snop  }
__scs_overlays_trampoline_lowered:
0x8: {  	[smem:$0x3FAA] =	sst s0  }
0x9: {  	[smem:$0x3FAB] =	sst s1  }
0xa: {  	[smem:$0x3FAC] =	sst s2  }
0xb: {  	[smem:$0x3FAD] =	sst s3  }
0xc: {  	[smem:$0x3FAE] =	sst s4  }
0xd: {  	[smem:$0x3FAF] =	sst s5  }
0xe: {  	[smem:$0x3FB0] =	sst s6  }
0xf: {  	[smem:$0x3FB1] =	sst s7  }
0x10: {  	[smem:$0x3FB2] =	sst s8  }
0x11: {  	[smem:$0x3FB3] =	sst s9;
	s0 =	simm.s32 @!p0 $0x0  }
0x12: {  	s1 =	sld [smem:$0x3F99];
	s0 =	simm.s32 @p0 $0x1  }
0x13: {  	[smem:$0x3FB4] =	sst s0;
	s0 =	simm.s32 @!p1 $0x0  }
0x14: {  	s2 =	sld [smem:$0x3F98];
	s0 =	simm.s32 @p1 $0x1  }
0x15: {  	[smem:$0x3FB5] =	sst s0;
	s0 =	simm.s32 @!p2 $0x0  }
0x16: {  	s3 =	sld [smem:$0x3FDB];
	s0 =	simm.s32 @p2 $0x1  }
0x17: {  	s4 =	simm.s32 $0x1BF5;
	[smem:$0x3FB7] =	sst s0  }
0x18: {  	s0 =	sld [smem:$0x3F9A];
	_ =	swait.ge [sflag:s4], $0x0  }
0x19: {  	s7 =	sld [smem:$0x3F9B]  }
0x1a: {  	s8 =	sadd.s32 $0xFFFFE003, lr  }
0x1b: {  	s9 =	sadd.s32 $0xFFFFFEF7, lr;
	s5 =	simm.s32 $0xFFFFFFFF;
	p2 =	slt.u32 s8, $0xFFFFF086  }
0x1c: {  	p1 =	slt.u32 s9, $0xF7A;
	s5 =	simm.s32 @!p2 $0x0  }
0x1d: {  	s5 =	simm.s32 @p1 $0x1;
	p0 =	seq.s32 s7, s2  }
0x1e: {  	s7 =	smul.u32 @!p0 $0xF7A, s2;
	p2 =	seq.s32 @!p0 s5, $0x0  }
0x1f: {  	s9 =	smul.u32 $0xF7A, s1;
	s8 =	simm.s32 @!p0 $0x1BF5;
	p2 =	por !p2, p0  }
0x20: {  	[sflag:s8] =	ssyncset.s32 @!p0 $0xFFFFF086;
	s6 =	sadd.s32 @!p0 s3, s7;
	s7 =	simm.s32 @!p0 $0x108  }
0x21: {  	s3 =	sadd.s32 s3, s9;
	s6 =	sadd.s32 @!p0 $0x88, s6;
	s7 =	simm.s32 @p2 $0x1082  }
0x22: {  	[simem:s7], [sflag:s8] =	dma.local @!p0 [hbm:s6], $0xF7A  }
0x23: {  	s9 =	sor.u32 $0xD0000000, s2;
	s6 =	simm.s32 $0x108;
	_ =	swait.ge @!p0 [sflag:s8], $0x0  }
0x24: {  	s3 =	sadd.s32 $0x88, s3;
	s6 =	simm.s32 @!p1 $0x1082;
	[sflag:s4] =	ssyncset.s32 $0xFFFFF086  }
0x25: {  	[simem:s6], [sflag:s4] =	dma.local [hbm:s3], $0xF7A  }
0x26: {  	[smem:$0x3F9B] =	sst s1;
	(tag) =	ssettag s2;
	_ =	strace s9  }
0x27: {  	s1 =	sld [smem:$0x3FAB]  }
0x28: {  	s2 =	sld [smem:$0x3FAC]  }
0x29: {  	s4 =	sld [smem:$0x3FAE]  }
0x2a: {  	p0 =	seq.s32 s5, $0x0;
	s5 =	sld [smem:$0x3FAF]  }
0x2b: {  	s6 =	sld [smem:$0x3FB0]  }
0x2c: {  	s7 =	sld [smem:$0x3FB1]  }
0x2d: {  	s3 =	simm.s32 $0x108;
	s8 =	sld [smem:$0x3FB2]  }
0x2e: {  	s3 =	simm.s32 @!p0 $0x1082;
	s9 =	sld [smem:$0x3FB3]  }
0x2f: {  	lr =	sadd.s32 s0, s3;
	s0 =	sld [smem:$0x3FAA]  }
0x30: {  	s3 =	sld [smem:$0x3FAD]  }
0x31: {  	[smem:$0x3FB6] =	sst s10  }
0x32: {  	s10 =	sld [smem:$0x3FB4];
	_ =	sdelay $0x3  }
0x33: {  	p0 =	seq.s32 s10, $0x1;
	s10 =	sld [smem:$0x3FB6];
	_ =	sdelay $0x3  }
0x34: {  	[smem:$0x3FB6] =	sst s10  }
0x35: {  	s10 =	sld [smem:$0x3FB5];
	_ =	sdelay $0x3  }
0x36: {  	p1 =	seq.s32 s10, $0x1;
	s10 =	sld [smem:$0x3FB6];
	_ =	sdelay $0x3  }
0x37: {  	[smem:$0x3FB6] =	sst s10  }
0x38: {  	s10 =	sld [smem:$0x3FB7]  }
0x39: {  	_ = 	snop;
	(pc) =	sbr.ind lr, $3  }
0x3a: {  	_ = 	snop  }
0x3b: {  	_ = 	snop  }
0x3c: {  	p2 =	seq.s32 s10, $0x1;
	s10 =	sld [smem:$0x3FB6]  }
0x3d: {  	_ =	shalt  }
0x3e: {  	_ =	shalt  }
0x3f: {  	_ =	shalt  }
0x40: {  	_ =	shalt  }
0x41: {  	_ =	shalt  }
0x42: {  	_ =	shalt  }
0x43: {  	_ =	shalt  }
0x44: {  	_ =	shalt  }
0x45: {  	_ =	shalt  }
0x46: {  	_ =	shalt  }
0x47: {  	_ =	shalt  }
0x48: {  	_ =	shalt  }
0x49: {  	_ =	shalt  }
0x4a: {  	_ =	shalt  }
0x4b: {  	_ =	shalt  }
0x4c: {  	_ =	shalt  }
0x4d: {  	_ =	shalt  }
0x4e: {  	_ =	shalt  }
0x4f: {  	_ =	shalt  }
0x50: {  	_ =	shalt  }
0x51: {  	_ =	shalt  }
0x52: {  	_ =	shalt  }
0x53: {  	_ =	shalt  }
0x54: {  	_ =	shalt  }
0x55: {  	_ =	shalt  }
0x56: {  	_ =	shalt  }
0x57: {  	_ =	shalt  }
0x58: {  	_ =	shalt  }
0x59: {  	_ =	shalt  }
0x5a: {  	_ =	shalt  }
0x5b: {  	_ =	shalt  }
0x5c: {  	_ =	shalt  }
0x5d: {  	_ =	shalt  }
0x5e: {  	_ =	shalt  }
0x5f: {  	_ =	shalt  }
0x60: {  	_ =	shalt  }
0x61: {  	_ =	shalt  }
0x62: {  	_ =	shalt  }
0x63: {  	_ =	shalt  }
0x64: {  	_ =	shalt  }
0x65: {  	_ =	shalt  }
0x66: {  	_ =	shalt  }
0x67: {  	_ =	shalt  }
0x68: {  	_ =	shalt  }
0x69: {  	_ =	shalt  }
0x6a: {  	_ =	shalt  }
0x6b: {  	_ =	shalt  }
0x6c: {  	_ =	shalt  }
0x6d: {  	_ =	shalt  }
0x6e: {  	_ =	shalt  }
0x6f: {  	_ =	shalt  }
0x70: {  	_ =	shalt  }
0x71: {  	_ =	shalt  }
0x72: {  	_ =	shalt  }
0x73: {  	_ =	shalt  }
0x74: {  	_ =	shalt  }
0x75: {  	_ =	shalt  }
0x76: {  	_ =	shalt  }
0x77: {  	_ =	shalt  }
0x78: {  	_ =	shalt  }
0x79: {  	_ =	shalt  }
0x7a: {  	_ =	shalt  }
0x7b: {  	_ =	shalt  }
0x7c: {  	_ =	shalt  }
0x7d: {  	_ =	shalt  }
0x7e: {  	_ =	shalt  }
0x7f: {  	_ =	shalt  }
0x80: {  	_ =	shalt  }
0x81: {  	_ =	shalt  }
0x82: {  	_ =	shalt  }
0x83: {  	_ =	shalt  }
0x84: {  	_ =	shalt  }
0x85: {  	_ =	shalt  }
0x86: {  	_ =	shalt  }
0x87: {  	_ =	shalt  }
.Lfunc_end0:
.L_simem_size_0:
called_computation.1_lowered:
.L_overlay_start_0:
0x88: {  	s2 =	sld [smem:$0x3FD9]  }
0x89: {  	s3 =	sld [smem:$0x3FFE];
	_ =	sdelay $0x1  }
0x8a: {  	s1 =	srdreg.scid  }
0x8b: {  	s0 =	sand.u32 $0x1, s1  }
0x8c: {  	s17 =	sshll.u32 s0, $0xA;
	s2 =	sadd.s32 s3, s2  }
0x8d: {  	s2 =	sadd.s32 s2, s17  }
0x8e: {  	[smem:$0x3FC2] =	sst s2  }
0x8f: {  	_ = 	snop  }
0x90: {  	s18 =	sld [smem:$0x3FC8];
	(tm) =	ssettm $0x1  }
0x91: {  	s19 =	sld [smem:$0x3FFB];
	_ =	sdelay $0x3  }
0x92: {  	_ =	strace s19  }
0x93: {  	s2 =	sld [smem:$0x3FFC];
	_ =	sdelay $0x3  }
0x94: {  	_ =	strace s2  }
0x95: {  	s2 =	sld [smem:$0x3FFD];
	_ =	sdelay $0x3  }
0x96: {  	_ =	strace s2  }
0x97: {  	_ =	strace $0x8FFFFFFF  }
0x98: {  	s20 =	sld [smem:$0x3FDB];
	_ =	sdelay $0x1  }
0x99: {  	s4 =	simm.s32 $_scs_section_size  }
0x9a: {  	s5 =	simm.s32 $_size__tile_overlayer_lowered;
	s6 =	simm.s32 $_tile_overlayer_lowered  }
0x9b: {  	s7 =	simm.s32 $0x1BFF;
	s21 =	sshll.u32 s6, $0x1;
	s4 =	sadd.s32 s4, s20  }
0x9c: {  	s22 =	simm.s32 $0x0;
	s5 =	sshll.u32 s5, $0x1;
	s6 =	sadd.s32 s21, s4  }
0x9d: {  	[timem:s22], [sflag:s7] =	dma.local [hbm:s6], s5  }
0x9e: {  	_ =	swait.ge [sflag:s7], s5  }
0x9f: {  	s5 =	ssub.s32 $0x0, s5;
	[sflag:s7] =	ssyncset.done $0x0  }
0xa0: {  	[sflag:s7] =	ssyncadd.s32 s5;
	_ =	sdelay $0x1  }
0xa1: {  	s23 =	simm.s32 $0x1B8B  }
0xa2: {  	_ =	swait.ge [sflag:s23], $0x1  }
0xa3: {  	[sflag:s23] =	ssyncset.done $0x0  }
0xa4: {  	[sflag:s23] =	ssyncadd.s32 $0xFFFFFFFF  }
0xa5: {  	s5 =	sld [smem:$0x0]  }
0xa6: {  	s6 =	sand.u32 $0xFFFFFFFE, s1  }
0xa7: {  	p0 =	sne.s32 s1, s6  }
0xa8: {  	s6 =	sshll.u32 @p0 s6, $0xE  }
0xa9: {  	s6 =	sadd.s32 @p0 $0x11B8D, s6;
	s7 =	sshll.u32 @p0 s5, $0x11  }
0xaa: {  	s6 =	sor.u32 @p0 s7, s6  }
0xab: {  	[sflag:s6] =	ssyncadd.remote.s32 @p0 $0x1;
	_ =	sdelay $0x1  }
0xac: {  	s6 =	simm.s32 @p0 $0x1B8D  }
0xad: {  	_ =	swait.eq @p0 [sflag:s6], $0x1  }
0xae: {  	[sflag:s6] =	ssyncadd.s32 @p0 $0xFFFFFFFF  }
0xaf: {  	s7 =	sshll.u32 @!p0 s1, $0xE  }
0xb0: {  	s7 =	sor.u32 @!p0 $0x4000, s7;
	s6 =	simm.s32 @!p0 $0x1B8D  }
0xb1: {  	s5 =	sshll.u32 @!p0 s5, $0x11;
	s7 =	sadd.s32 @!p0 $0x11B8D, s7;
	_ =	swait.eq @!p0 [sflag:s6], $0x1  }
0xb2: {  	s5 =	sor.u32 @!p0 s5, s7;
	[sflag:s6] =	ssyncadd.s32 @!p0 $0xFFFFFFFF  }
0xb3: {  	s25 =	simm.s32 $0x1B8E;
	s24 =	sld [smem:$0x3FFE];
	[sflag:s5] =	ssyncadd.remote.s32 @!p0 $0x1  }
0xb4: {  	s26 =	simm.s32 $execute0_lowered;
	[smem:$0x3FD2] =	sst s25  }
0xb5: {  	s6 =	sshll.u32 s26, $0x1;
	_ =	strace $0x80000049;
	[dreg:$0x1] =	wrdreg $0xFFFFFFFF  }
0xb6: {  	s28 =	simm.s32 $_size_execute0_lowered;
	s4 =	sadd.s32 s4, s6;
	[dreg:$0x0] =	wrdreg $0x0  }
0xb7: {  	s6 =	sshll.u32 s28, $0x1;
	[dreg:$0x2] =	wrdreg s4  }
0xb8: {  	[dreg:$0x3] =	wrdreg s6  }
0xb9: {  	[dreg:$0x4] =	wrdreg $0xC0  }
0xba: {  	_ =	task [dreg:s22], $0x5FFFF  }
0xbb: {  	[dreg:$0x1] =	wrdreg $0xFFFFFFFF  }
0xbc: {  	[dreg:$0x0] =	wrdreg $0x60  }
0xbd: {  	[dreg:$0x2] =	wrdreg s18  }
0xbe: {  	[dreg:$0x3] =	wrdreg s24  }
0xbf: {  	[dreg:$0x4] =	wrdreg $0xA  }
0xc0: {  	_ =	task.clear_ibuf [dreg:s22], $0x5FFFF;
	_ =	strace $0x90000049  }
0xc1: {  	s29 =	simm.s32 $0xA;
	_ =	strace $0x8000004B  }
0xc2: {  	_ =	swait.ge [sflag:s29], $0x1  }
0xc3: {  	[sflag:s29] =	ssyncadd.s32 $0xFFFFFFFF  }
0xc4: {  	_ =	strace $0x9000004B  }
0xc5: {  	_ =	sfence  }
0xc6: {  	s30 =	sld [smem:$0x0];
	_ =	sdelay $0x2  }
0xc7: {  	s31 =	sshll.u32 s1, $0xD;
	s1 =	sshrl.u32 s1, $0x2  }
0xc8: {  	s4 =	sand.u32 $0x4000, s31;
	s1 =	sadd.s32 s1, s30  }
0xc9: {  	s0 =	sor.u32 s4, s0;
	s1 =	sshll.u32 s1, $0x11  }
0xca: {  	s0 =	sor.u32 s1, s0  }
0xcb: {  	s0 =	sadd.s32 $0x8F2B, s0  }
0xcc: {  	[sflag:s0] =	ssyncadd.remote.s32 $0x1  }
0xcd: {  	_ =	sfence.sel $0xFFFF  }
0xce: {  	[dreg:$0x0] =	wrdreg $0xFFFFFFFF;
	(pc) =	sbr.abs _section_cstart, $3  }
0xcf: {  	[dreg:$0x1] =	wrdreg $0xFFFFFFFF  }
0xd0: {  	_ =	task.clear_ibuf [dreg:s22], $0x2FFFF;
	_ =	strace $0x9FFFFFFF  }
0xd1: {  	(tm) =	ssettm $0x7FFFFFFF  }
tec
execute0_lowered:
.L_overlay_start_1:
0x0: {  	(tag) =	ssettag $0x1  }
0x1: {  	s0 =	srdreg.scid  }
0x2: {  	s1 =	stileid.u32;
	s0 =	sand.u32 $0x1, s0  }
0x3: {  	s1 =	sshll.u32 s1, $0xB;
	s3 =	sshll.u32 s0, $0xA  }
0x4: {  	s1 =	sor.u32 s3, s1  }
0x5: {  	s2 =	rddreg [dreg:$0x0];
	s3 =	sor.u32 $0x40, s1  }
0x6: {  	s4 =	rddreg [dreg:$0x1];
	s5 =	sshrl.u32 s3, $0x3;
	s3 =	simm.s32 $0x0  }
0x7: {  	s17 =	simm.s32 $0xC00;
	[smem:$0x7FF] =	sst s3  }
0x8: {  	s18 =	simm.s32 $0x1400;
	_ =	strace $0x8000004A;
	[dreg:$0x5] =	wrdreg s17  }
0x9: {  	s19 =	simm.s32 $0x1C00;
	[dreg:$0x6] =	wrdreg s18  }
0xa: {  	s20 =	simm.s32 $0x2400;
	[dreg:$0x7] =	wrdreg s19  }
0xb: {  	s21 =	simm.s32 $0x2C00;
	[dreg:$0x8] =	wrdreg s20  }
0xc: {  	s22 =	simm.s32 $0x3400;
	[dreg:$0x9] =	wrdreg s21  }
0xd: {  	s23 =	simm.s32 $0x3C00;
	[dreg:$0xa] =	wrdreg s22  }
0xe: {  	s24 =	simm.s32 $0x4400;
	[dreg:$0xb] =	wrdreg s23  }
0xf: {  	s25 =	simm.s32 $0x4C00;
	[dreg:$0xc] =	wrdreg s24  }
0x10: {  	s26 =	simm.s32 $0x5400;
	[dreg:$0xd] =	wrdreg s25  }
0x11: {  	s8 =	simm.s32 $0x6C00;
	[dreg:$0xe] =	wrdreg s26  }
0x12: {  	s9 =	simm.s32 $0x7400;
	[dreg:$0x11] =	wrdreg s8  }
0x13: {  	s10 =	simm.s32 $0x7C00;
	s11 =	simm.s32 $0x8400;
	[dreg:$0x12] =	wrdreg s9  }
0x14: {  	s12 =	simm.s32 $0x8C00;
	s13 =	simm.s32 $0x9400;
	[dreg:$0x13] =	wrdreg s10  }
0x15: {  	s14 =	simm.s32 $0x9C00;
	s15 =	simm.s32 $0xA400;
	[dreg:$0x14] =	wrdreg s11  }
0x16: {  	s28 =	simm.s32 $0x17C00;
	s29 =	simm.s32 $0x2;
	[dreg:$0x15] =	wrdreg s12  }
0x17: {  	s30 =	simm.s32 $0x3;
	s1 =	sshrl.u32 s1, $0x3;
	[dreg:$0x16] =	wrdreg s13  }
0x18: {  	s7 =	smul.u32 $0x300, s1;
	s1 =	sadd.s32 s1, s4;
	[dreg:$0x17] =	wrdreg s14  }
0x19: {  	s6 =	sadd.s32 $0x302400, s4;
	s1 =	sadd.s32 $0x301400, s1;
	[dreg:$0x18] =	wrdreg s15  }
0x1a: {  	s31 =	simm.s32 $0x4;
	s16 =	sadd.s32 s7, s6;
	[smem:$0x7F9] =	sst s1  }
0x1b: {  	s0 =	ssub.s32 $0x2, s0;
	s7 =	simm.s32 $0x6400;
	[dreg:$0x4] =	wrdreg s16  }
0x1c: {  	s5 =	smul.u32 $0x300, s5;
	s17 =	simm.s32 $0xAC00;
	[dreg:$0x10] =	wrdreg s7  }
0x1d: {  	s18 =	simm.s32 $0xB400;
	s19 =	simm.s32 $0xBC00;
	[dreg:$0x19] =	wrdreg s17  }
0x1e: {  	s20 =	simm.s32 $0xCC00;
	s21 =	simm.s32 $0xD400;
	[dreg:$0x1a] =	wrdreg s18  }
0x1f: {  	s22 =	simm.s32 $0xDC00;
	s23 =	simm.s32 $0xE400;
	[dreg:$0x1b] =	wrdreg s19  }
0x20: {  	s9 =	simm.s32 $0x400;
	s24 =	simm.s32 $0xEC00;
	[dreg:$0x1c] =	wrdreg s20  }
0x21: {  	s10 =	simm.s32 $0x1;
	s25 =	simm.s32 $0xF400;
	[dreg:$0x1d] =	wrdreg s21  }
0x22: {  	s11 =	simm.s32 $0xC400;
	s26 =	simm.s32 $0xFC00;
	[dreg:$0x1e] =	wrdreg s22  }
0x23: {  	s12 =	simm.s32 $0x10400;
	s13 =	simm.s32 $0x10C00;
	[dreg:$0x1f] =	wrdreg s23  }
0x24: {  	s14 =	simm.s32 $0x11400;
	s15 =	simm.s32 $0x11C00;
	[smem:$0x7FB] =	sst s24  }
0x25: {  	s1 =	simm.s32 $0x0;
	s5 =	sadd.s32 s5, s6;
	[smem:$0x7FC] =	sst s25  }
0x26: {  	s6 =	simm.s32 $0x5C00;
	s16 =	sshrl.u32 s0, $0x1;
	[smem:$0x7FD] =	sst s26  }
0x27: {  	s17 =	simm.s32 $0x12C00;
	s18 =	simm.s32 $0x13400;
	s19 =	simm.s32 $0x13C00  }
0x28: {  	s20 =	simm.s32 $0x14400;
	s21 =	simm.s32 $0x14C00;
	s22 =	simm.s32 $0x15400  }
0x29: {  	s23 =	simm.s32 $0x15C00;
	s24 =	simm.s32 $0x16400;
	s25 =	simm.s32 $0x16C00  }
0x2a: {  	v2 =	vlaneseq.u32;
	s26 =	simm.s32 $0x17400;
	[dreg:$0x3] =	wrdreg s5;
	s0 =	ssub.s32 s0, s16  }
0x2b: {  	vm0 =	vmmov $0xffff;
	v1 =	vshrl.u32 v2, $0x3;
	[dreg:$0xf] =	wrdreg s6;
	s5 =	sadd.s32 $0x100, s2;
	s0 =	smax.u32 s0, $0x1  }
0x2c: {  	v0 =	vand.u32 $0x7, v2;
	v2 =	vor.u32 $0x8, v2;
	v1 =	vmul.u32 $0x8, v1;
	s6 =	sadd.s32 $0x200, s2;
	s16 =	simm.s32 $0x12400;
	[smem:$0x7FA] =	sst s0  }
.LBB2_1:
0x2d: {  	s0 =	sld [smem:$0x7F9];
	_ =	sdelay $0x1  }
0x2e: {  	s8 =	simm.s32 $0x5  }
0x2f: {  	[tilespmem:s3], [sflag:$0x5] =	stream.linear.gather [hbm4b:s0+s3], $0x400, $0x38;
	[tilespmem:$0x18400] =	vst v63  }
0x30: {  	_ =	swait.ge [sflag:s8], $0x400  }
0x31: {  	[sflag:s8] =	ssyncset.done $0x0  }
0x32: {  	s4 =	simm.s32 $0x0;
	s0 =	simm.s32 $0x40;
	[sflag:s8] =	ssyncadd.s32 $0xFFFFFC00  }
.LBB2_2:
0x33: {  	p0 =	seq.s32 s4, $0x0  }
0x34: {  	s7 =	simm.s32 @!p0 $0x3  }
0x35: {  	_ =	swait.ge @!p0 [sflag:s7], $0xC000  }
0x36: {  	[sflag:s7] =	ssyncset.done @!p0 $0x0  }
0x37: {  	[sflag:s7] =	ssyncadd.s32 @!p0 $0xFFFF4000  }
0x38: {  	v3 =	vld [tilespmem:s0+$0xFFFFFFC0];
	_ =	sdelay $0x4  }
0x39: {  	v4 =	vshrl.u32 v3, $0x3  }
0x3a: {  	v4 =	vmul.u32 $0x30, v4  }
0x3b: {  	v3 =	vand.u32 $0x7, v3  }
0x3c: {  	v3 =	vor.u32 v3, v4  }
0x3d: {  	v4 =	vperm.xlane v3, v0;
	_ =	sdelay $0x1  }
0x3e: {  	v4 =	vadd.s32 v1, v4;
	_ =	sdelay $0x3  }
0x3f: {  	v3 =	vperm.xlane v3, v2  }
0x40: {  	[tilespmem:s9], [sflag:$0x1] =	stream.indirect_vreg.gather [hbm4b:s2+s3], $0x80, v4, vm0, $0xb8;
	[tilespmem:$0x18400] =	vst v63  }
0x41: {  	s7 =	rddreg [dreg:$0x5];
	v3 =	vadd.s32 v1, v3  }
0x42: {  	[tilespmem:s7], [sflag:$0x1] =	stream.indirect_vreg.gather [hbm4b:s5+s3], $0x80, v4, vm0, $0xb8;
	[tilespmem:$0x18400] =	vst v63  }
0x43: {  	s8 =	rddreg [dreg:$0x6]  }
0x44: {  	[tilespmem:s8], [sflag:$0x1] =	stream.indirect_vreg.gather [hbm4b:s6+s3], $0x80, v4, vm0, $0xb8;
	[tilespmem:$0x18400] =	vst v63  }
0x45: {  	s7 =	rddreg [dreg:$0x7]  }
0x46: {  	[tilespmem:s7], [sflag:$0x1] =	stream.indirect_vreg.gather [hbm4b:s2+s3], $0x80, v3, vm0, $0xb8;
	[tilespmem:$0x18400] =	vst v63  }
0x47: {  	s8 =	rddreg [dreg:$0x8]  }
0x48: {  	[tilespmem:s8], [sflag:$0x1] =	stream.indirect_vreg.gather [hbm4b:s5+s3], $0x80, v3, vm0, $0xb8;
	[tilespmem:$0x18400] =	vst v63  }
0x49: {  	s7 =	rddreg [dreg:$0x9]  }
0x4a: {  	[tilespmem:s7], [sflag:$0x1] =	stream.indirect_vreg.gather [hbm4b:s6+s3], $0x80, v3, vm0, $0xb8;
	[tilespmem:$0x18400] =	vst v63  }
0x4b: {  	v3 =	vld [tilespmem:s0+$0xFFFFFFD0];
	_ =	sdelay $0x4  }
0x4c: {  	v57 =	vshrl.u32 v3, $0x3  }
0x4d: {  	v4 =	vmul.u32 $0x30, v57  }
0x4e: {  	v3 =	vand.u32 $0x7, v3  }
0x4f: {  	v3 =	vor.u32 v3, v4  }
0x50: {  	v4 =	vperm.xlane v3, v0;
	_ =	sdelay $0x1  }
0x51: {  	v4 =	vadd.s32 v1, v4;
	_ =	sdelay $0x3  }
0x52: {  	s7 =	rddreg [dreg:$0xa];
	v3 =	vperm.xlane v3, v2  }
0x53: {  	[tilespmem:s7], [sflag:$0x1] =	stream.indirect_vreg.gather [hbm4b:s2+s3], $0x80, v4, vm0, $0xb8;
	[tilespmem:$0x18400] =	vst v63  }
0x54: {  	s8 =	rddreg [dreg:$0xb];
	v3 =	vadd.s32 v1, v3  }
0x55: {  	[tilespmem:s8], [sflag:$0x1] =	stream.indirect_vreg.gather [hbm4b:s5+s3], $0x80, v4, vm0, $0xb8;
	[tilespmem:$0x18400] =	vst v63  }
0x56: {  	s7 =	rddreg [dreg:$0xc]  }
0x57: {  	[tilespmem:s7], [sflag:$0x1] =	stream.indirect_vreg.gather [hbm4b:s6+s3], $0x80, v4, vm0, $0xb8;
	[tilespmem:$0x18400] =	vst v63  }
0x58: {  	s8 =	rddreg [dreg:$0xd]  }
0x59: {  	[tilespmem:s8], [sflag:$0x1] =	stream.indirect_vreg.gather [hbm4b:s2+s3], $0x80, v3, vm0, $0xb8;
	[tilespmem:$0x18400] =	vst v63  }
0x5a: {  	s7 =	rddreg [dreg:$0xe]  }
0x5b: {  	[tilespmem:s7], [sflag:$0x1] =	stream.indirect_vreg.gather [hbm4b:s5+s3], $0x80, v3, vm0, $0xb8;
	[tilespmem:$0x18400] =	vst v63  }
0x5c: {  	s8 =	rddreg [dreg:$0xf]  }
0x5d: {  	[tilespmem:s8], [sflag:$0x1] =	stream.indirect_vreg.gather [hbm4b:s6+s3], $0x80, v3, vm0, $0xb8;
	[tilespmem:$0x18400] =	vst v63  }
0x5e: {  	v3 =	vld [tilespmem:s0+$0xFFFFFFE0];
	_ =	sdelay $0x4  }
0x5f: {  	v58 =	vshrl.u32 v3, $0x3  }
0x60: {  	v4 =	vmul.u32 $0x30, v58  }
0x61: {  	v3 =	vand.u32 $0x7, v3  }
0x62: {  	v3 =	vor.u32 v3, v4  }
0x63: {  	v4 =	vperm.xlane v3, v0;
	_ =	sdelay $0x1  }
0x64: {  	v4 =	vadd.s32 v1, v4;
	_ =	sdelay $0x3  }
0x65: {  	s7 =	rddreg [dreg:$0x10];
	v3 =	vperm.xlane v3, v2  }
0x66: {  	[tilespmem:s7], [sflag:$0x1] =	stream.indirect_vreg.gather [hbm4b:s2+s3], $0x80, v4, vm0, $0xb8;
	[tilespmem:$0x18400] =	vst v63  }
0x67: {  	s8 =	rddreg [dreg:$0x11];
	v3 =	vadd.s32 v1, v3  }
0x68: {  	[tilespmem:s8], [sflag:$0x1] =	stream.indirect_vreg.gather [hbm4b:s5+s3], $0x80, v4, vm0, $0xb8;
	[tilespmem:$0x18400] =	vst v63  }
0x69: {  	s7 =	rddreg [dreg:$0x12]  }
0x6a: {  	[tilespmem:s7], [sflag:$0x1] =	stream.indirect_vreg.gather [hbm4b:s6+s3], $0x80, v4, vm0, $0xb8;
	[tilespmem:$0x18400] =	vst v63  }
0x6b: {  	s8 =	rddreg [dreg:$0x13]  }
0x6c: {  	[tilespmem:s8], [sflag:$0x1] =	stream.indirect_vreg.gather [hbm4b:s2+s3], $0x80, v3, vm0, $0xb8;
	[tilespmem:$0x18400] =	vst v63  }
0x6d: {  	s7 =	rddreg [dreg:$0x14]  }
0x6e: {  	[tilespmem:s7], [sflag:$0x1] =	stream.indirect_vreg.gather [hbm4b:s5+s3], $0x80, v3, vm0, $0xb8;
	[tilespmem:$0x18400] =	vst v63  }
0x6f: {  	s8 =	rddreg [dreg:$0x15]  }
0x70: {  	[tilespmem:s8], [sflag:$0x1] =	stream.indirect_vreg.gather [hbm4b:s6+s3], $0x80, v3, vm0, $0xb8;
	[tilespmem:$0x18400] =	vst v63  }
0x71: {  	v3 =	vld [tilespmem:s0+$0xFFFFFFF0];
	_ =	sdelay $0x4  }
0x72: {  	v59 =	vshrl.u32 v3, $0x3  }
0x73: {  	v4 =	vmul.u32 $0x30, v59  }
0x74: {  	v3 =	vand.u32 $0x7, v3  }
0x75: {  	v3 =	vor.u32 v3, v4  }
0x76: {  	v4 =	vperm.xlane v3, v0;
	_ =	sdelay $0x1  }
0x77: {  	v4 =	vadd.s32 v1, v4;
	_ =	sdelay $0x3  }
0x78: {  	s7 =	rddreg [dreg:$0x16];
	v3 =	vperm.xlane v3, v2  }
0x79: {  	[tilespmem:s7], [sflag:$0x1] =	stream.indirect_vreg.gather [hbm4b:s2+s3], $0x80, v4, vm0, $0xb8;
	[tilespmem:$0x18400] =	vst v63  }
0x7a: {  	s8 =	rddreg [dreg:$0x17];
	v3 =	vadd.s32 v1, v3  }
0x7b: {  	[tilespmem:s8], [sflag:$0x1] =	stream.indirect_vreg.gather [hbm4b:s5+s3], $0x80, v4, vm0, $0xb8;
	[tilespmem:$0x18400] =	vst v63  }
0x7c: {  	s7 =	rddreg [dreg:$0x18]  }
0x7d: {  	[tilespmem:s7], [sflag:$0x1] =	stream.indirect_vreg.gather [hbm4b:s6+s3], $0x80, v4, vm0, $0xb8;
	[tilespmem:$0x18400] =	vst v63  }
0x7e: {  	s8 =	rddreg [dreg:$0x19]  }
0x7f: {  	[tilespmem:s8], [sflag:$0x1] =	stream.indirect_vreg.gather [hbm4b:s2+s3], $0x80, v3, vm0, $0xb8;
	[tilespmem:$0x18400] =	vst v63  }
0x80: {  	s7 =	rddreg [dreg:$0x1a]  }
0x81: {  	[tilespmem:s7], [sflag:$0x1] =	stream.indirect_vreg.gather [hbm4b:s5+s3], $0x80, v3, vm0, $0xb8;
	[tilespmem:$0x18400] =	vst v63  }
0x82: {  	s8 =	rddreg [dreg:$0x1b]  }
0x83: {  	[tilespmem:s8], [sflag:$0x1] =	stream.indirect_vreg.gather [hbm4b:s6+s3], $0x80, v3, vm0, $0xb8;
	[tilespmem:$0x18400] =	vst v63  }
0x84: {  	_ =	swait.ge [sflag:s10], $0xC000  }
0x85: {  	s8 =	rddreg [dreg:$0x4];
	[sflag:s10] =	ssyncset.done $0x0  }
0x86: {  	[sflag:s10] =	ssyncadd.s32 $0xFFFF4000;
	s7 =	sadd.s32 s4, s8  }
0x87: {  	[hbm4b:s7+s3] =	stream.linear.scatter [tilespmem:s9], [sflag:$0x3], $0xC000, $0x38;
	[tilespmem:$0x18400] =	vst v63  }
0x88: {  	s7 =	simm.s32 @!p0 $0x4  }
0x89: {  	_ =	swait.ge @!p0 [sflag:s7], $0xC000  }
0x8a: {  	[sflag:s7] =	ssyncset.done @!p0 $0x0  }
0x8b: {  	[sflag:s7] =	ssyncadd.s32 @!p0 $0xFFFF4000  }
0x8c: {  	v3 =	vld [tilespmem:s0+$0x0];
	_ =	sdelay $0x4  }
0x8d: {  	v60 =	vshrl.u32 v3, $0x3  }
0x8e: {  	v4 =	vmul.u32 $0x30, v60  }
0x8f: {  	v3 =	vand.u32 $0x7, v3  }
0x90: {  	v3 =	vor.u32 v3, v4  }
0x91: {  	v4 =	vperm.xlane v3, v0;
	_ =	sdelay $0x1  }
0x92: {  	v4 =	vadd.s32 v1, v4;
	_ =	sdelay $0x3  }
0x93: {  	s8 =	rddreg [dreg:$0x1d];
	v3 =	vperm.xlane v3, v2  }
0x94: {  	[tilespmem:s11], [sflag:$0x2] =	stream.indirect_vreg.gather [hbm4b:s2+s3], $0x80, v4, vm0, $0xb8;
	[tilespmem:$0x18400] =	vst v63  }
0x95: {  	s7 =	rddreg [dreg:$0x1c];
	v3 =	vadd.s32 v1, v3  }
0x96: {  	[tilespmem:s7], [sflag:$0x2] =	stream.indirect_vreg.gather [hbm4b:s5+s3], $0x80, v4, vm0, $0xb8;
	[tilespmem:$0x18400] =	vst v63  }
0x97: {  	s7 =	rddreg [dreg:$0x1e]  }
0x98: {  	[tilespmem:s8], [sflag:$0x2] =	stream.indirect_vreg.gather [hbm4b:s6+s3], $0x80, v4, vm0, $0xb8;
	[tilespmem:$0x18400] =	vst v63  }
0x99: {  	s8 =	rddreg [dreg:$0x1f]  }
0x9a: {  	[tilespmem:s7], [sflag:$0x2] =	stream.indirect_vreg.gather [hbm4b:s2+s3], $0x80, v3, vm0, $0xb8;
	[tilespmem:$0x18400] =	vst v63  }
0x9b: {  	s7 =	sld [smem:$0x7FB]  }
0x9c: {  	[tilespmem:s8], [sflag:$0x2] =	stream.indirect_vreg.gather [hbm4b:s5+s3], $0x80, v3, vm0, $0xb8;
	[tilespmem:$0x18400] =	vst v63  }
0x9d: {  	_ = 	snop  }
0x9e: {  	[tilespmem:s7], [sflag:$0x2] =	stream.indirect_vreg.gather [hbm4b:s6+s3], $0x80, v3, vm0, $0xb8;
	[tilespmem:$0x18400] =	vst v63  }
0x9f: {  	v3 =	vld [tilespmem:s0+$0x10];
	_ =	sdelay $0x4  }
0xa0: {  	v61 =	vshrl.u32 v3, $0x3  }
0xa1: {  	v4 =	vmul.u32 $0x30, v61  }
0xa2: {  	v3 =	vand.u32 $0x7, v3  }
0xa3: {  	v3 =	vor.u32 v3, v4  }
0xa4: {  	v4 =	vperm.xlane v3, v0;
	_ =	sdelay $0x1  }
0xa5: {  	v4 =	vadd.s32 v1, v4;
	_ =	sdelay $0x1  }
0xa6: {  	s7 =	sld [smem:$0x7FC];
	_ =	sdelay $0x1  }
0xa7: {  	s8 =	sld [smem:$0x7FD];
	v3 =	vperm.xlane v3, v2  }
0xa8: {  	[tilespmem:s7], [sflag:$0x2] =	stream.indirect_vreg.gather [hbm4b:s2+s3], $0x80, v4, vm0, $0xb8;
	[tilespmem:$0x18400] =	vst v63  }
0xa9: {  	v3 =	vadd.s32 v1, v3  }
0xaa: {  	[tilespmem:s8], [sflag:$0x2] =	stream.indirect_vreg.gather [hbm4b:s5+s3], $0x80, v4, vm0, $0xb8;
	[tilespmem:$0x18400] =	vst v63  }
0xab: {  	_ = 	snop  }
0xac: {  	[tilespmem:s12], [sflag:$0x2] =	stream.indirect_vreg.gather [hbm4b:s6+s3], $0x80, v4, vm0, $0xb8;
	[tilespmem:$0x18400] =	vst v63  }
0xad: {  	_ = 	snop  }
0xae: {  	[tilespmem:s13], [sflag:$0x2] =	stream.indirect_vreg.gather [hbm4b:s2+s3], $0x80, v3, vm0, $0xb8;
	[tilespmem:$0x18400] =	vst v63  }
0xaf: {  	_ = 	snop  }
0xb0: {  	[tilespmem:s14], [sflag:$0x2] =	stream.indirect_vreg.gather [hbm4b:s5+s3], $0x80, v3, vm0, $0xb8;
	[tilespmem:$0x18400] =	vst v63  }
0xb1: {  	_ = 	snop  }
0xb2: {  	[tilespmem:s15], [sflag:$0x2] =	stream.indirect_vreg.gather [hbm4b:s6+s3], $0x80, v3, vm0, $0xb8;
	[tilespmem:$0x18400] =	vst v63  }
0xb3: {  	v3 =	vld [tilespmem:s0+$0x20];
	_ =	sdelay $0x4  }
0xb4: {  	v62 =	vshrl.u32 v3, $0x3  }
0xb5: {  	v4 =	vmul.u32 $0x30, v62  }
0xb6: {  	v3 =	vand.u32 $0x7, v3  }
0xb7: {  	v3 =	vor.u32 v3, v4  }
0xb8: {  	v4 =	vperm.xlane v3, v0;
	_ =	sdelay $0x1  }
0xb9: {  	v4 =	vadd.s32 v1, v4;
	_ =	sdelay $0x3  }
0xba: {  	v3 =	vperm.xlane v3, v2  }
0xbb: {  	[tilespmem:s16], [sflag:$0x2] =	stream.indirect_vreg.gather [hbm4b:s2+s3], $0x80, v4, vm0, $0xb8;
	[tilespmem:$0x18400] =	vst v63  }
0xbc: {  	v3 =	vadd.s32 v1, v3  }
0xbd: {  	[tilespmem:s17], [sflag:$0x2] =	stream.indirect_vreg.gather [hbm4b:s5+s3], $0x80, v4, vm0, $0xb8;
	[tilespmem:$0x18400] =	vst v63  }
0xbe: {  	_ = 	snop  }
0xbf: {  	[tilespmem:s18], [sflag:$0x2] =	stream.indirect_vreg.gather [hbm4b:s6+s3], $0x80, v4, vm0, $0xb8;
	[tilespmem:$0x18400] =	vst v63  }
0xc0: {  	_ = 	snop  }
0xc1: {  	[tilespmem:s19], [sflag:$0x2] =	stream.indirect_vreg.gather [hbm4b:s2+s3], $0x80, v3, vm0, $0xb8;
	[tilespmem:$0x18400] =	vst v63  }
0xc2: {  	_ = 	snop  }
0xc3: {  	[tilespmem:s20], [sflag:$0x2] =	stream.indirect_vreg.gather [hbm4b:s5+s3], $0x80, v3, vm0, $0xb8;
	[tilespmem:$0x18400] =	vst v63  }
0xc4: {  	_ = 	snop  }
0xc5: {  	[tilespmem:s21], [sflag:$0x2] =	stream.indirect_vreg.gather [hbm4b:s6+s3], $0x80, v3, vm0, $0xb8;
	[tilespmem:$0x18400] =	vst v63  }
0xc6: {  	v3 =	vld [tilespmem:s0+$0x30];
	_ =	sdelay $0x4  }
0xc7: {  	v63 =	vshrl.u32 v3, $0x3  }
0xc8: {  	v4 =	vmul.u32 $0x30, v63  }
0xc9: {  	v3 =	vand.u32 $0x7, v3  }
0xca: {  	v3 =	vor.u32 v3, v4  }
0xcb: {  	v4 =	vperm.xlane v3, v0;
	_ =	sdelay $0x1  }
0xcc: {  	v4 =	vadd.s32 v1, v4;
	_ =	sdelay $0x3  }
0xcd: {  	v3 =	vperm.xlane v3, v2  }
0xce: {  	[tilespmem:s22], [sflag:$0x2] =	stream.indirect_vreg.gather [hbm4b:s2+s3], $0x80, v4, vm0, $0xb8;
	[tilespmem:$0x18400] =	vst v63  }
0xcf: {  	v3 =	vadd.s32 v1, v3  }
0xd0: {  	[tilespmem:s23], [sflag:$0x2] =	stream.indirect_vreg.gather [hbm4b:s5+s3], $0x80, v4, vm0, $0xb8;
	[tilespmem:$0x18400] =	vst v63  }
0xd1: {  	_ = 	snop  }
0xd2: {  	[tilespmem:s24], [sflag:$0x2] =	stream.indirect_vreg.gather [hbm4b:s6+s3], $0x80, v4, vm0, $0xb8;
	[tilespmem:$0x18400] =	vst v63  }
0xd3: {  	_ = 	snop  }
0xd4: {  	[tilespmem:s25], [sflag:$0x2] =	stream.indirect_vreg.gather [hbm4b:s2+s3], $0x80, v3, vm0, $0xb8;
	[tilespmem:$0x18400] =	vst v63  }
0xd5: {  	_ = 	snop  }
0xd6: {  	[tilespmem:s26], [sflag:$0x2] =	stream.indirect_vreg.gather [hbm4b:s5+s3], $0x80, v3, vm0, $0xb8;
	[tilespmem:$0x18400] =	vst v63  }
0xd7: {  	_ = 	snop  }
0xd8: {  	[tilespmem:s28], [sflag:$0x2] =	stream.indirect_vreg.gather [hbm4b:s6+s3], $0x80, v3, vm0, $0xb8;
	[tilespmem:$0x18400] =	vst v63  }
0xd9: {  	_ =	swait.ge [sflag:s29], $0xC000  }
0xda: {  	s8 =	rddreg [dreg:$0x3]  }
0xdb: {  	s7 =	sadd.s32 s4, s8;
	s4 =	sadd.s32 $0x3000, s4  }
0xdc: {  	p0 =	sne.s32 s4, $0x18000  }
.Ltmp0:
0xdd: {  	_ = 	snop;
	(pc) =	sbr.rel @p0 .LBB2_2-.Ltmp0, $4  }
0xde: {  	_ = 	snop  }
0xdf: {  	[sflag:s29] =	ssyncset.done $0x0  }
0xe0: {  	s0 =	sadd.s32 $0x80, s0;
	[sflag:s29] =	ssyncadd.s32 $0xFFFF4000  }
0xe1: {  	[hbm4b:s7+s3] =	stream.linear.scatter [tilespmem:s11], [sflag:$0x4], $0xC000, $0x38;
	[tilespmem:$0x18400] =	vst v63  }
0xe2: {  	_ =	swait.ge [sflag:s30], $0xC000  }
0xe3: {  	[sflag:s30] =	ssyncset.done $0x0  }
0xe4: {  	[sflag:s30] =	ssyncadd.s32 $0xFFFF4000  }
0xe5: {  	_ =	swait.ge [sflag:s31], $0xC000  }
0xe6: {  	s0 =	sld [smem:$0x7FA];
	_ =	sdelay $0x1  }
0xe7: {  	s1 =	sadd.s32 $0x1, s1  }
0xe8: {  	p0 =	sne.s32 s1, s0  }
.Ltmp1:
0xe9: {  	_ = 	snop;
	(pc) =	sbr.rel @p0 .LBB2_1-.Ltmp1, $3  }
0xea: {  	_ =	sdelay $0x1  }
0xeb: {  	[sflag:s31] =	ssyncset.done $0x0  }
0xec: {  	[sflag:s31] =	ssyncadd.s32 $0xFFFF4000  }
0xed: {  	_ =	sfence.sel $0x180000  }
0xee: {  	[bflag:$0x0] =	sbarrier.arrive $0xFFFF  }
0xef: {  	_ =	strace $0x9000004A  }
0xf0: {  	s0 =	stileid.u32;
	[bflag:$0x2] =	sbarrier.arrive $0xFFFF  }
0xf1: {  	p0 =	sne.s32 s0, $0x0;
	s0 =	rddreg [dreg:$0x2]  }
0xf2: {  	s0 =	sadd.s32 @!p0 $0x100000, s0  }
0xf3: {  	[sflag:s0] =	ssyncadd.tile.s32 @!p0 $0x1;
	_ =	shalt  }
.Lfunc_end2:
_tile_overlayer_lowered:
.L_overlay_start_2:
0xf4: {  	(tag) =	ssettag $0x2  }
0xf5: {  	s0 =	rddreg [dreg:$0x0];
	s2 =	stileid.u32  }
0xf6: {  	s1 =	rddreg [dreg:$0x1];
	p0 =	sne.s32 s2, $0x0  }
0xf7: {  	s3 =	rddreg [dreg:$0x2];
	[bflag:$0x3] =	sbarrier.arrive $0xFFFF;
	s2 =	simm.s32 @!p0 $0x1C05  }
0xf8: {  	[timem:s3], [sflag:s2] =	dma.local @!p0 [hbm:s0], s1  }
0xf9: {  	s0 =	simm.s32 @!p0 $0x5  }
0xfa: {  	_ =	swait.ge @!p0 [sflag:s0], s1  }
0xfb: {  	s1 =	ssub.s32 @!p0 $0x0, s1;
	[sflag:s0] =	ssyncset.done @!p0 $0x0  }
0xfc: {  	[sflag:s0] =	ssyncadd.s32 @!p0 s1  }
0xfd: {  	[bflag:$0x3] =	sbarrier.arrive $0xFFFF  }
0xfe: {  	_ =	shalt  }

</sc_bundles>
